<compile_context>
chip_gen: v7x
topology: tpu7x:2x2x1
jax: 0.10.2.dev20260603
libtpu: 0.0.44.dev20260713+nightly
codegen_flags: <defaults>
</compile_context>

<pallas_src>
import jax
import jax.numpy as jnp
from jax import lax
from jax.experimental import pallas as pl
from jax.experimental.pallas import tpu as pltpu
from jax.experimental.pallas import tpu_sc as plsc

NCLS = 18048
NFEAT = 256
NBATCH = 4096

NW = 32
BPW = NBATCH // NW

N_BLK = 384
MM_STEPS = NCLS // N_BLK
LO_BLK = 128
LO_STEPS = NBATCH // LO_BLK


def _sc_mesh():
    return plsc.VectorSubcoreMesh(core_axis_name="c", subcore_axis_name="s")


def _wid():
    return lax.axis_index("s") * 2 + lax.axis_index("c")


def _gather_body(mem_hbm, tgt_hbm, out_hbm, idx_v, rows_v, sem):
    w = _wid()
    base = w * BPW
    pltpu.sync_copy(tgt_hbm.at[pl.ds(base, BPW)], idx_v)
    pltpu.async_copy(mem_hbm.at[idx_v], rows_v, sem).wait()
    pltpu.sync_copy(rows_v, out_hbm.at[pl.ds(base, BPW)])


def _sc_gather(mem, targets):
    k = pl.kernel(
        _gather_body,
        out_type=jax.ShapeDtypeStruct((NBATCH, NFEAT), jnp.float32),
        mesh=_sc_mesh(),
        scratch_types=[
            pltpu.VMEM((BPW,), jnp.int32),
            pltpu.VMEM((BPW, NFEAT), jnp.float32),
            pltpu.SemaphoreType.DMA,
        ],
        name="sc_gather_rows",
    )
    return k(mem, targets)


def _mm_body(x_mm_ref, mem_ref, t_col_ref, t_row_ref,
             logits_ref, nm0_ref, lo_ref):
    s = pl.program_id(0)

    m = mem_ref[...]
    logits_ref[...] = lax.dot_general(
        x_mm_ref[...], m, (((1,), (1,)), ((), ())),
        preferred_element_type=jnp.float32)
    nm0_ref[...] = m

    b = lax.rem(s, LO_STEPS)
    tb = t_col_ref[pl.ds(b * LO_BLK, LO_BLK), :]
    eq = tb == t_row_ref[...]
    jidx = lax.broadcasted_iota(jnp.int32, (LO_BLK, NBATCH), 1)
    lo_ref[pl.ds(b * LO_BLK, LO_BLK), :] = jnp.max(
        jnp.where(eq, jidx, -1), axis=1, keepdims=True)


def _tc_main(inputs, mem, t_col, t_row):
    return pl.pallas_call(
        _mm_body,
        grid=(MM_STEPS,),
        in_specs=[
            pl.BlockSpec((NBATCH, NFEAT), lambda s: (0, 0)),
            pl.BlockSpec((N_BLK, NFEAT), lambda s: (s, 0)),
            pl.BlockSpec((NBATCH, 1), lambda s: (0, 0)),
            pl.BlockSpec((1, NBATCH), lambda s: (0, 0)),
        ],
        out_specs=[
            pl.BlockSpec((NBATCH, N_BLK), lambda s: (0, s)),
            pl.BlockSpec((N_BLK, NFEAT), lambda s: (s, 0)),
            pl.BlockSpec((NBATCH, 1), lambda s: (0, 0)),
        ],
        out_shape=[
            jax.ShapeDtypeStruct((NBATCH, NCLS), jnp.float32),
            jax.ShapeDtypeStruct((NCLS, NFEAT), jnp.float32),
            jax.ShapeDtypeStruct((NBATCH, 1), jnp.int32),
        ],
        name="tc_matmul_lo_nm",
    )(inputs, mem, t_col, t_row)


def _upd_body(alpha_ref, g_ref, x_ref, u_ref):
    a = alpha_ref[0, 0]
    u = a * g_ref[...] + (1.0 - a) * x_ref[...]
    n = jnp.sqrt(jnp.sum(u * u, axis=1, keepdims=True))
    u_ref[...] = u / (n + 1e-12)


def _tc_update(alpha, g, inputs):
    return pl.pallas_call(
        _upd_body,
        in_specs=[
            pl.BlockSpec(memory_space=pltpu.SMEM),
            pl.BlockSpec((NBATCH, NFEAT), lambda: (0, 0)),
            pl.BlockSpec((NBATCH, NFEAT), lambda: (0, 0)),
        ],
        out_specs=pl.BlockSpec((NBATCH, NFEAT), lambda: (0, 0)),
        out_shape=jax.ShapeDtypeStruct((NBATCH, NFEAT), jnp.float32),
        name="tc_update_u",
    )(alpha, g, inputs)


def _scatterf_body(u_hbm, tgt_hbm, lo_hbm, nm_hbm, idx_v, lo_v, rows_v, sem):
    w = _wid()
    base = w * BPW
    pltpu.sync_copy(tgt_hbm.at[pl.ds(base, BPW)], idx_v)
    pltpu.sync_copy(lo_hbm.at[pl.ds(base, BPW)], lo_v)
    pltpu.async_copy(u_hbm.at[lo_v], rows_v, sem).wait()
    pltpu.async_copy(rows_v, nm_hbm.at[idx_v], sem).wait()


def _sc_scatterf(u, targets, lastocc, nm_ref):
    k = pl.kernel(
        _scatterf_body,
        out_type=(),
        mesh=_sc_mesh(),
        scratch_types=[
            pltpu.VMEM((BPW,), jnp.int32),
            pltpu.VMEM((BPW,), jnp.int32),
            pltpu.VMEM((BPW, NFEAT), jnp.float32),
            pltpu.SemaphoreType.DMA,
        ],
        name="sc_scatter_winners",
    )
    k(u, targets, lastocc, nm_ref)


def kernel(inputs, targets, mem, epoch):
    t32 = targets.astype(jnp.int32)
    alpha = jnp.asarray(0.5 * epoch / 60.0, jnp.float32).reshape(1, 1)

    g = _sc_gather(mem, t32)
    logits, nm0, lastocc = _tc_main(
        inputs, mem, t32.reshape(NBATCH, 1), t32.reshape(1, NBATCH))
    u = _tc_update(alpha, g, inputs)
    nm_ref = jax.new_ref(nm0)
    _sc_scatterf(u, t32, lastocc.reshape(NBATCH), nm_ref)
    return logits, nm_ref[...]

# --- scband reference (transcript-rebuilt; emitter-appended) ---
"""Pipeline reference for scband-mcloss-26293789786145 (READ-ONLY COPY).

The authoritative reference and input builder live on the scoring server;
editing this copy changes nothing except your own understanding.
"""

import jax, jax.numpy as jnp
import numpy as np

NUM_CLASSES = 18048
NUM_FEATURES = 256
BATCH = 4096


def setup_inputs(seed: int = 0) -> dict:
    key = jax.random.key(seed)
    k1, k2, k3 = jax.random.split(key, 3)
    inputs = jax.random.normal(k1, (BATCH, NUM_FEATURES), dtype=jnp.float32)
    targets = jax.random.randint(k2, (BATCH,), 0, NUM_CLASSES, dtype=jnp.int64 if jax.config.jax_enable_x64 else jnp.int32)
    mem = jax.random.normal(k3, (NUM_CLASSES, NUM_FEATURES), dtype=jnp.float32)
    mem = mem / (jnp.linalg.norm(mem, axis=1, keepdims=True) + 1e-12)
    return {"inputs": inputs, "targets": targets, "mem": mem, "epoch": 30}


def reference(inputs, targets, mem, epoch):
    # Memory.forward: alpha schedule then MemoryLayer
    alpha = 0.5 * epoch / 60.0
    # MemoryLayer.forward: logits = inputs @ mem.T
    logits = inputs @ mem.T
    # MemoryLayer side-effecting memory update (done in torch backward, reproduced
    # functionally here): mem[y] = alpha*mem[y] + (1-alpha)*x, then L2-normalize row.
    gathered = jnp.take(mem, targets, axis=0)
    updated = alpha * gathered + (1.0 - alpha) * inputs
    updated = updated / (jnp.linalg.norm(updated, axis=1, keepdims=True) + 1e-12)
    # scatter-overwrite (duplicate targets: last write wins, matching sequential loop)
    new_mem = mem.at[targets].set(updated)
    return logits, new_mem

if __name__ == "__main__":
    import jax
    _d = setup_inputs()
    print(jax.jit(kernel)(*tuple(_d.values())))

</pallas_src>

<mosaic_0001>
#map = affine_map<(d0, d1) -> (0, 0)>
#map1 = affine_map<(d0, d1) -> (0)>
module attributes {stable_mosaic.version = 14 : i64} {
  func.func @new_body(%arg0: i32, %arg1: i32, %arg2: memref<4096x256xf32, #tpu.memory_space<hbm>>, %arg3: memref<4096xi32, #tpu.memory_space<hbm>>, %arg4: memref<4096xi32, #tpu.memory_space<hbm>>, %arg5: memref<18048x256xf32, #tpu.memory_space<hbm>>, %arg6: memref<18048x256xf32, #tpu.memory_space<hbm>>, %arg7: memref<128xi32, #tpu.memory_space<vmem>>, %arg8: memref<128xi32, #tpu.memory_space<vmem>>, %arg9: memref<128x256xf32, #tpu.memory_space<vmem>>, %arg10: memref<!tpu.dma_semaphore, #tpu.memory_space<semaphore_mem>>) attributes {dimension_semantics = [#tpu.dimension_semantics<core_parallel>, #tpu.dimension_semantics<subcore_parallel>], iteration_bounds = array<i64: 2, 16>, scalar_prefetch = 0 : i64, scratch_operands = 4 : i64, tpu.core_type = #tpu.core_type<sc_vector_subcore>, window_params = [{transform_indices = #map}, {transform_indices = #map1}, {transform_indices = #map1}, {transform_indices = #map}, {transform_indices = #map}]} {
    %mul3A = arith.constant 2 : i32
    %mul3A_0 = arith.muli %arg1, %mul3A : i32
    %add3A = arith.addi %mul3A_0, %arg0 : i32
    %mul3A_1 = arith.constant 128 : i32
    %mul3A_2 = arith.muli %add3A, %mul3A_1 : i32
    "tpu.region"() ({
      %run_scoped3A = tpu.sem_alloc : memref<!tpu.dma_semaphore, #tpu.memory_space<semaphore_mem>>
      %dma_start3A_13 = tpu.memref_slice %arg3[%mul3A_2] : memref<4096xi32, #tpu.memory_space<hbm>> -> memref<128xi32, #tpu.memory_space<hbm>>
      %dma_start3A_14 = tpu.memref_slice %arg3[%mul3A_2] : memref<4096xi32, #tpu.memory_space<hbm>> -> memref<128xi32, #tpu.memory_space<hbm>>
      tpu.enqueue_dma source(%dma_start3A_14 : memref<128xi32, #tpu.memory_space<hbm>>) target(%arg7 : memref<128xi32, #tpu.memory_space<vmem>>) target_semaphore(%run_scoped3A : memref<!tpu.dma_semaphore, #tpu.memory_space<semaphore_mem>>)
      %dma_wait3A_15 = tpu.memref_slice %arg3[%mul3A_2] : memref<4096xi32, #tpu.memory_space<hbm>> -> memref<128xi32, #tpu.memory_space<hbm>>
      %dma_wait3A_16 = tpu.memref_slice %arg3[%mul3A_2] : memref<4096xi32, #tpu.memory_space<hbm>> -> memref<128xi32, #tpu.memory_space<hbm>>
      tpu.wait_dma2 semaphore(%run_scoped3A : memref<!tpu.dma_semaphore, #tpu.memory_space<semaphore_mem>>) src(%dma_wait3A_16 : memref<128xi32, #tpu.memory_space<hbm>>) dst(%arg7 : memref<128xi32, #tpu.memory_space<vmem>>)
      tpu.yield
    }) : () -> ()
    "tpu.region"() ({
      %run_scoped3A = tpu.sem_alloc : memref<!tpu.dma_semaphore, #tpu.memory_space<semaphore_mem>>
      %dma_start3A_13 = tpu.memref_slice %arg4[%mul3A_2] : memref<4096xi32, #tpu.memory_space<hbm>> -> memref<128xi32, #tpu.memory_space<hbm>>
      %dma_start3A_14 = tpu.memref_slice %arg4[%mul3A_2] : memref<4096xi32, #tpu.memory_space<hbm>> -> memref<128xi32, #tpu.memory_space<hbm>>
      tpu.enqueue_dma source(%dma_start3A_14 : memref<128xi32, #tpu.memory_space<hbm>>) target(%arg8 : memref<128xi32, #tpu.memory_space<vmem>>) target_semaphore(%run_scoped3A : memref<!tpu.dma_semaphore, #tpu.memory_space<semaphore_mem>>)
      %dma_wait3A_15 = tpu.memref_slice %arg4[%mul3A_2] : memref<4096xi32, #tpu.memory_space<hbm>> -> memref<128xi32, #tpu.memory_space<hbm>>
      %dma_wait3A_16 = tpu.memref_slice %arg4[%mul3A_2] : memref<4096xi32, #tpu.memory_space<hbm>> -> memref<128xi32, #tpu.memory_space<hbm>>
      tpu.wait_dma2 semaphore(%run_scoped3A : memref<!tpu.dma_semaphore, #tpu.memory_space<semaphore_mem>>) src(%dma_wait3A_16 : memref<128xi32, #tpu.memory_space<hbm>>) dst(%arg8 : memref<128xi32, #tpu.memory_space<vmem>>)
      tpu.yield
    }) : () -> ()
    %dma_start3A = arith.constant 0 : i32
    %dma_start3A_3 = arith.constant 0 : i32
    %dma_start3A_4 = tpu.memref_slice %arg2[%dma_start3A, %dma_start3A_3] : memref<4096x256xf32, #tpu.memory_space<hbm>> -> memref<4096x256xf32, #tpu.memory_space<hbm>>
    tpu.enqueue_indirect_dma source(%dma_start3A_4 : memref<4096x256xf32, #tpu.memory_space<hbm>>) target(%arg9 : memref<128x256xf32, #tpu.memory_space<vmem>>) offsets(%arg8 : memref<128xi32, #tpu.memory_space<vmem>>) semaphore(%arg10 : memref<!tpu.dma_semaphore, #tpu.memory_space<semaphore_mem>>)
    %dma_wait3A = arith.constant 0 : i32
    %dma_wait3A_5 = arith.constant 0 : i32
    %dma_wait3A_6 = tpu.memref_slice %arg2[%dma_wait3A, %dma_wait3A_5] : memref<4096x256xf32, #tpu.memory_space<hbm>> -> memref<4096x256xf32, #tpu.memory_space<hbm>>
    tpu.wait_indirect_dma semaphore(%arg10 : memref<!tpu.dma_semaphore, #tpu.memory_space<semaphore_mem>>) src(%dma_wait3A_6 : memref<4096x256xf32, #tpu.memory_space<hbm>>) dst(%arg9 : memref<128x256xf32, #tpu.memory_space<vmem>>)
    %dma_start3A_7 = arith.constant 0 : i32
    %dma_start3A_8 = arith.constant 0 : i32
    %dma_start3A_9 = tpu.memref_slice %arg5[%dma_start3A_7, %dma_start3A_8] : memref<18048x256xf32, #tpu.memory_space<hbm>> -> memref<18048x256xf32, #tpu.memory_space<hbm>>
    tpu.enqueue_indirect_dma source(%arg9 : memref<128x256xf32, #tpu.memory_space<vmem>>) target(%dma_start3A_9 : memref<18048x256xf32, #tpu.memory_space<hbm>>) offsets(%arg7 : memref<128xi32, #tpu.memory_space<vmem>>) semaphore(%arg10 : memref<!tpu.dma_semaphore, #tpu.memory_space<semaphore_mem>>)
    %dma_wait3A_10 = arith.constant 0 : i32
    %dma_wait3A_11 = arith.constant 0 : i32
    %dma_wait3A_12 = tpu.memref_slice %arg5[%dma_wait3A_10, %dma_wait3A_11] : memref<18048x256xf32, #tpu.memory_space<hbm>> -> memref<18048x256xf32, #tpu.memory_space<hbm>>
    tpu.wait_indirect_dma semaphore(%arg10 : memref<!tpu.dma_semaphore, #tpu.memory_space<semaphore_mem>>) src(%arg9 : memref<128x256xf32, #tpu.memory_space<vmem>>) dst(%dma_wait3A_12 : memref<18048x256xf32, #tpu.memory_space<hbm>>)
    return
  }
}

#map = affine_map<(d0, d1) -> (0, 0)>
#map1 = affine_map<(d0, d1) -> (0)>
module attributes {stable_mosaic.version = 14 : i64} {
  func.func @sc_gather_rows(%arg0: i32, %arg1: i32, %arg2: memref<18048x256xf32, #tpu.memory_space<hbm>>, %arg3: memref<4096xi32, #tpu.memory_space<hbm>>, %arg4: memref<4096x256xf32, #tpu.memory_space<hbm>>, %arg5: memref<128xi32, #tpu.memory_space<vmem>>, %arg6: memref<128x256xf32, #tpu.memory_space<vmem>>, %arg7: memref<!tpu.dma_semaphore, #tpu.memory_space<semaphore_mem>>) attributes {dimension_semantics = [#tpu.dimension_semantics<core_parallel>, #tpu.dimension_semantics<subcore_parallel>], iteration_bounds = array<i64: 2, 16>, scalar_prefetch = 0 : i64, scratch_operands = 3 : i64, tpu.core_type = #tpu.core_type<sc_vector_subcore>, window_params = [{transform_indices = #map}, {transform_indices = #map1}, {transform_indices = #map}]} {
    %mul3A = arith.constant 2 : i32
    %mul3A_0 = arith.muli %arg1, %mul3A : i32
    %add3A = arith.addi %mul3A_0, %arg0 : i32
    %mul3A_1 = arith.constant 128 : i32
    %mul3A_2 = arith.muli %add3A, %mul3A_1 : i32
    "tpu.region"() ({
      %run_scoped3A = tpu.sem_alloc : memref<!tpu.dma_semaphore, #tpu.memory_space<semaphore_mem>>
      %dma_start3A_7 = tpu.memref_slice %arg3[%mul3A_2] : memref<4096xi32, #tpu.memory_space<hbm>> -> memref<128xi32, #tpu.memory_space<hbm>>
      %dma_start3A_8 = tpu.memref_slice %arg3[%mul3A_2] : memref<4096xi32, #tpu.memory_space<hbm>> -> memref<128xi32, #tpu.memory_space<hbm>>
      tpu.enqueue_dma source(%dma_start3A_8 : memref<128xi32, #tpu.memory_space<hbm>>) target(%arg5 : memref<128xi32, #tpu.memory_space<vmem>>) target_semaphore(%run_scoped3A : memref<!tpu.dma_semaphore, #tpu.memory_space<semaphore_mem>>)
      %dma_wait3A_9 = tpu.memref_slice %arg3[%mul3A_2] : memref<4096xi32, #tpu.memory_space<hbm>> -> memref<128xi32, #tpu.memory_space<hbm>>
      %dma_wait3A_10 = tpu.memref_slice %arg3[%mul3A_2] : memref<4096xi32, #tpu.memory_space<hbm>> -> memref<128xi32, #tpu.memory_space<hbm>>
      tpu.wait_dma2 semaphore(%run_scoped3A : memref<!tpu.dma_semaphore, #tpu.memory_space<semaphore_mem>>) src(%dma_wait3A_10 : memref<128xi32, #tpu.memory_space<hbm>>) dst(%arg5 : memref<128xi32, #tpu.memory_space<vmem>>)
      tpu.yield
    }) : () -> ()
    %dma_start3A = arith.constant 0 : i32
    %dma_start3A_3 = arith.constant 0 : i32
    %dma_start3A_4 = tpu.memref_slice %arg2[%dma_start3A, %dma_start3A_3] : memref<18048x256xf32, #tpu.memory_space<hbm>> -> memref<18048x256xf32, #tpu.memory_space<hbm>>
    tpu.enqueue_indirect_dma source(%dma_start3A_4 : memref<18048x256xf32, #tpu.memory_space<hbm>>) target(%arg6 : memref<128x256xf32, #tpu.memory_space<vmem>>) offsets(%arg5 : memref<128xi32, #tpu.memory_space<vmem>>) semaphore(%arg7 : memref<!tpu.dma_semaphore, #tpu.memory_space<semaphore_mem>>)
    %dma_wait3A = arith.constant 0 : i32
    %dma_wait3A_5 = arith.constant 0 : i32
    %dma_wait3A_6 = tpu.memref_slice %arg2[%dma_wait3A, %dma_wait3A_5] : memref<18048x256xf32, #tpu.memory_space<hbm>> -> memref<18048x256xf32, #tpu.memory_space<hbm>>
    tpu.wait_indirect_dma semaphore(%arg7 : memref<!tpu.dma_semaphore, #tpu.memory_space<semaphore_mem>>) src(%dma_wait3A_6 : memref<18048x256xf32, #tpu.memory_space<hbm>>) dst(%arg6 : memref<128x256xf32, #tpu.memory_space<vmem>>)
    "tpu.region"() ({
      %run_scoped3A = tpu.sem_alloc : memref<!tpu.dma_semaphore, #tpu.memory_space<semaphore_mem>>
      %dma_start3A_7 = arith.constant 0 : i32
      %dma_start3A_8 = tpu.memref_slice %arg4[%mul3A_2, %dma_start3A_7] : memref<4096x256xf32, #tpu.memory_space<hbm>> -> memref<128x256xf32, #tpu.memory_space<hbm>>
      %dma_start3A_9 = arith.constant 0 : i32
      %dma_start3A_10 = tpu.memref_slice %arg4[%mul3A_2, %dma_start3A_9] : memref<4096x256xf32, #tpu.memory_space<hbm>> -> memref<128x256xf32, #tpu.memory_space<hbm>>
      tpu.enqueue_dma source(%arg6 : memref<128x256xf32, #tpu.memory_space<vmem>>) target(%dma_start3A_10 : memref<128x256xf32, #tpu.memory_space<hbm>>) target_semaphore(%run_scoped3A : memref<!tpu.dma_semaphore, #tpu.memory_space<semaphore_mem>>)
      %dma_wait3A_11 = arith.constant 0 : i32
      %dma_wait3A_12 = tpu.memref_slice %arg4[%mul3A_2, %dma_wait3A_11] : memref<4096x256xf32, #tpu.memory_space<hbm>> -> memref<128x256xf32, #tpu.memory_space<hbm>>
      %dma_wait3A_13 = arith.constant 0 : i32
      %dma_wait3A_14 = tpu.memref_slice %arg4[%mul3A_2, %dma_wait3A_13] : memref<4096x256xf32, #tpu.memory_space<hbm>> -> memref<128x256xf32, #tpu.memory_space<hbm>>
      tpu.wait_dma2 semaphore(%run_scoped3A : memref<!tpu.dma_semaphore, #tpu.memory_space<semaphore_mem>>) src(%arg6 : memref<128x256xf32, #tpu.memory_space<vmem>>) dst(%dma_wait3A_14 : memref<128x256xf32, #tpu.memory_space<hbm>>)
      tpu.yield
    }) : () -> ()
    return
  }
}

module attributes {stable_mosaic.version = 14 : i64} {
  func.func @tc_update_u(%arg0: memref<1x1xf32, #tpu.memory_space<smem>>, %arg1: memref<4096x256xf32, #tpu.memory_space<vmem>>, %arg2: memref<4096x256xf32, #tpu.memory_space<vmem>>, %arg3: memref<4096x256xf32, #tpu.memory_space<vmem>>) attributes {dimension_semantics = [], scalar_prefetch = 0 : i64, scratch_operands = 0 : i64, tpu.core_type = #tpu.core_type<tc>} {
    %get3A = arith.constant 0 : index
    %get3A_0 = arith.constant 0 : index
    %get3A_1 = memref.load %arg0[%get3A, %get3A_0] : memref<1x1xf32, #tpu.memory_space<smem>>
    %get3A_2 = arith.constant 0 : index
    %get3A_3 = arith.constant 0 : index
    %get3A_4 = vector.load %arg1[%get3A_2, %get3A_3] : memref<4096x256xf32, #tpu.memory_space<vmem>>, vector<4096x256xf32>
    %mul3A = vector.broadcast %get3A_1 : f32 to vector<4096x256xf32>
    %mul3A_5 = arith.mulf %mul3A, %get3A_4 : vector<4096x256xf32>
    %sub3A = arith.constant 1.000000e+00 : f32
    %sub3A_6 = arith.subf %sub3A, %get3A_1 : f32
    %get3A_7 = arith.constant 0 : index
    %get3A_8 = arith.constant 0 : index
    %get3A_9 = vector.load %arg2[%get3A_7, %get3A_8] : memref<4096x256xf32, #tpu.memory_space<vmem>>, vector<4096x256xf32>
    %mul3A_10 = vector.broadcast %sub3A_6 : f32 to vector<4096x256xf32>
    %mul3A_11 = arith.mulf %mul3A_10, %get3A_9 : vector<4096x256xf32>
    %add3A = arith.addf %mul3A_5, %mul3A_11 : vector<4096x256xf32>
    %mul3A_12 = arith.mulf %add3A, %add3A : vector<4096x256xf32>
    %reduce_sum3A = arith.constant dense<0.000000e+00> : vector<4096xf32>
    %reduce_sum3A_13 = vector.multi_reduction <add>, %mul3A_12, %reduce_sum3A [1] : vector<4096x256xf32> to vector<4096xf32>
    %broadcast_in_dim3A = vector.shape_cast %reduce_sum3A_13 : vector<4096xf32> to vector<4096x1xf32>
    %sqrt3A = math.sqrt %broadcast_in_dim3A : vector<4096x1xf32>
    %add3A_14 = arith.constant 9.99999996E-13 : f32
    %add3A_15 = vector.broadcast %add3A_14 : f32 to vector<4096x1xf32>
    %add3A_16 = arith.addf %sqrt3A, %add3A_15 : vector<4096x1xf32>
    %div3A = vector.broadcast %add3A_16 : vector<4096x1xf32> to vector<4096x256xf32>
    %div3A_17 = arith.divf %add3A, %div3A : vector<4096x256xf32>
    %swap3A = arith.constant 0 : index
    %swap3A_18 = arith.constant 0 : index
    %swap3A_19 = vector.load %arg3[%swap3A, %swap3A_18] : memref<4096x256xf32, #tpu.memory_space<vmem>>, vector<4096x256xf32>
    tpu.vector_store %arg3[%swap3A, %swap3A_18], %div3A_17 {strides = array<i32>} : memref<4096x256xf32, #tpu.memory_space<vmem>>, vector<4096x256xf32>,
    return
  }
}

module attributes {stable_mosaic.version = 14 : i64} {
  func.func @tc_matmul_lo_nm(%arg0: i32, %arg1: memref<4096x256xf32, #tpu.memory_space<vmem>>, %arg2: memref<384x256xf32, #tpu.memory_space<vmem>>, %arg3: memref<4096x1xi32, #tpu.memory_space<vmem>>, %arg4: memref<1x4096xi32, #tpu.memory_space<vmem>>, %arg5: memref<4096x384xf32, #tpu.memory_space<vmem>>, %arg6: memref<384x256xf32, #tpu.memory_space<vmem>>, %arg7: memref<4096x1xi32, #tpu.memory_space<vmem>>) attributes {dimension_semantics = [#tpu.dimension_semantics<arbitrary>], iteration_bounds = array<i64: 47>, scalar_prefetch = 0 : i64, scratch_operands = 0 : i64, tpu.core_type = #tpu.core_type<tc>, window_params = [{pipeline_mode = #tpu.pipeline_mode<synchronous>, transform_indices = @transform_0, window_bounds = array<i64: 4096, 256>}, {transform_indices = @transform_1, window_bounds = array<i64: 384, 256>}, {pipeline_mode = #tpu.pipeline_mode<synchronous>, transform_indices = @transform_2, window_bounds = array<i64: 4096, 1>}, {pipeline_mode = #tpu.pipeline_mode<synchronous>, transform_indices = @transform_3, window_bounds = array<i64: 1, 4096>}, {transform_indices = @transform_4, window_bounds = array<i64: 4096, 384>}, {transform_indices = @transform_5, window_bounds = array<i64: 384, 256>}, {pipeline_mode = #tpu.pipeline_mode<synchronous>, transform_indices = @transform_6, window_bounds = array<i64: 4096, 1>}]} {
    %get3A = arith.constant 0 : index
    %get3A_0 = arith.constant 0 : index
    %get3A_1 = vector.load %arg2[%get3A, %get3A_0] : memref<384x256xf32, #tpu.memory_space<vmem>>, vector<384x256xf32>
    %get3A_2 = arith.constant 0 : index
    %get3A_3 = arith.constant 0 : index
    %get3A_4 = vector.load %arg1[%get3A_2, %get3A_3] : memref<4096x256xf32, #tpu.memory_space<vmem>>, vector<4096x256xf32>
    %dot_general3A = arith.constant dense<0.000000e+00> : vector<4096x384xf32>
    %dot_general3A_5 = tpu.matmul %get3A_4, %get3A_1, %dot_general3A {dimension_numbers = #tpu.dot_dimension_numbers<[1], [1], [0], [0], [0, 0, 1, 0], [], []>, transpose_lhs_hint = false} : vector<4096x256xf32>, vector<384x256xf32>, vector<4096x384xf32> -> vector<4096x384xf32>
    %swap3A = arith.constant 0 : index
    %swap3A_6 = arith.constant 0 : index
    %swap3A_7 = vector.load %arg5[%swap3A, %swap3A_6] : memref<4096x384xf32, #tpu.memory_space<vmem>>, vector<4096x384xf32>
    tpu.vector_store %arg5[%swap3A, %swap3A_6], %dot_general3A_5 {strides = array<i32>} : memref<4096x384xf32, #tpu.memory_space<vmem>>, vector<4096x384xf32>,
    %swap3A_8 = arith.constant 0 : index
    %swap3A_9 = arith.constant 0 : index
    %swap3A_10 = vector.load %arg6[%swap3A_8, %swap3A_9] : memref<384x256xf32, #tpu.memory_space<vmem>>, vector<384x256xf32>
    tpu.vector_store %arg6[%swap3A_8, %swap3A_9], %get3A_1 {strides = array<i32>} : memref<384x256xf32, #tpu.memory_space<vmem>>, vector<384x256xf32>,
    %rem3A = arith.constant 32 : i32
    %rem3A_11 = arith.remsi %arg0, %rem3A : i32
    %mul3A = arith.constant 128 : i32
    %mul3A_12 = arith.muli %rem3A_11, %mul3A : i32
    %get3A_13 = arith.index_cast %mul3A_12 : i32 to index
    %get3A_14 = arith.constant 0 : index
    %get3A_15 = vector.load %arg3[%get3A_13, %get3A_14] : memref<4096x1xi32, #tpu.memory_space<vmem>>, vector<128x1xi32>
    %get3A_16 = arith.constant 0 : index
    %get3A_17 = arith.constant 0 : index
    %get3A_18 = vector.load %arg4[%get3A_16, %get3A_17] : memref<1x4096xi32, #tpu.memory_space<vmem>>, vector<1x4096xi32>
    %eq3A = vector.broadcast %get3A_15 : vector<128x1xi32> to vector<128x4096xi32>
    %eq3A_19 = vector.broadcast %get3A_18 : vector<1x4096xi32> to vector<128x4096xi32>
    %eq3A_20 = arith.cmpi eq, %eq3A, %eq3A_19 : vector<128x4096xi32>
    %iota3A = tpu.iota {dimensions = array<i32: 1>} : vector<128x4096xi32>
    %jit3A = arith.constant -1 : i32
    %broadcast_in_dim3A = vector.broadcast %jit3A : i32 to vector<128x4096xi32>
    %select_n3A = arith.select %eq3A_20, %iota3A, %broadcast_in_dim3A : vector<128x4096xi1>, vector<128x4096xi32>
    %reduce_max3A = arith.constant dense<-2147483648> : vector<128xi32>
    %reduce_max3A_21 = vector.multi_reduction <maxsi>, %select_n3A, %reduce_max3A [1] : vector<128x4096xi32> to vector<128xi32>
    %broadcast_in_dim3A_22 = vector.shape_cast %reduce_max3A_21 : vector<128xi32> to vector<128x1xi32>
    %mul3A_23 = arith.constant 128 : i32
    %mul3A_24 = arith.muli %rem3A_11, %mul3A_23 : i32
    %swap3A_25 = arith.index_cast %mul3A_24 : i32 to index
    %swap3A_26 = arith.constant 0 : index
    %swap3A_27 = vector.load %arg7[%swap3A_25, %swap3A_26] : memref<4096x1xi32, #tpu.memory_space<vmem>>, vector<128x1xi32>
    tpu.vector_store %arg7[%swap3A_25, %swap3A_26], %broadcast_in_dim3A_22 {strides = array<i32>} : memref<4096x1xi32, #tpu.memory_space<vmem>>, vector<128x1xi32>,
    return
  }
  func.func @transform_0(%arg0: i32) -> (i32, i32) {
    %c0_i32 = arith.constant 0 : i32
    %c0_i32_0 = arith.constant 0 : i32
    %c0_i32_1 = arith.constant 0 : i32
    return %c0_i32, %c0_i32_0 : i32, i32
  }
  func.func @transform_1(%arg0: i32) -> (i32, i32) {
    %c0_i32 = arith.constant 0 : i32
    %c0_i32_0 = arith.constant 0 : i32
    return %arg0, %c0_i32 : i32, i32
  }
  func.func @transform_2(%arg0: i32) -> (i32, i32) {
    %c0_i32 = arith.constant 0 : i32
    %c0_i32_0 = arith.constant 0 : i32
    %c0_i32_1 = arith.constant 0 : i32
    return %c0_i32, %c0_i32_0 : i32, i32
  }
  func.func @transform_3(%arg0: i32) -> (i32, i32) {
    %c0_i32 = arith.constant 0 : i32
    %c0_i32_0 = arith.constant 0 : i32
    %c0_i32_1 = arith.constant 0 : i32
    return %c0_i32, %c0_i32_0 : i32, i32
  }
  func.func @transform_4(%arg0: i32) -> (i32, i32) {
    %c0_i32 = arith.constant 0 : i32
    %c0_i32_0 = arith.constant 0 : i32
    return %c0_i32, %arg0 : i32, i32
  }
  func.func @transform_5(%arg0: i32) -> (i32, i32) {
    %c0_i32 = arith.constant 0 : i32
    %c0_i32_0 = arith.constant 0 : i32
    return %arg0, %c0_i32 : i32, i32
  }
  func.func @transform_6(%arg0: i32) -> (i32, i32) {
    %c0_i32 = arith.constant 0 : i32
    %c0_i32_0 = arith.constant 0 : i32
    %c0_i32_1 = arith.constant 0 : i32
    return %c0_i32, %c0_i32_0 : i32, i32
  }
}

</mosaic_0001>

<sc_bundles>
// kernel: sc_gather_rows.3.cloned.1.call-start
scs
__scs_entry_jumppad:
0x0: {  	(pc) =	sbr.rel $0x88, $3  }
0x1: {  	(tag) =	ssettag $0x0;
	lr =	simm.s32 $0x1  }
0x2: {  	[smem:$0x3F9D] =	sst lr;
	_ =	strace $0xD0000000  }
0x3: {  	_ = 	snop  }
0x4: {  	_ = 	snop  }
0x5: {  	_ = 	snop  }
0x6: {  	_ = 	snop  }
0x7: {  	_ = 	snop  }
__scs_overlays_trampoline_lowered:
0x8: {  	[smem:$0x3FAC] =	sst s0  }
0x9: {  	[smem:$0x3FAD] =	sst s1  }
0xa: {  	[smem:$0x3FAE] =	sst s2  }
0xb: {  	[smem:$0x3FAF] =	sst s3  }
0xc: {  	[smem:$0x3FB0] =	sst s4  }
0xd: {  	[smem:$0x3FB1] =	sst s5  }
0xe: {  	[smem:$0x3FB2] =	sst s6  }
0xf: {  	[smem:$0x3FB3] =	sst s7  }
0x10: {  	[smem:$0x3FB4] =	sst s8  }
0x11: {  	[smem:$0x3FB5] =	sst s9;
	s0 =	simm.s32 @!p0 $0x0  }
0x12: {  	s1 =	sld [smem:$0x3F9B];
	s0 =	simm.s32 @p0 $0x1  }
0x13: {  	[smem:$0x3FB6] =	sst s0;
	s0 =	simm.s32 @!p1 $0x0  }
0x14: {  	s2 =	sld [smem:$0x3F9A];
	s0 =	simm.s32 @p1 $0x1  }
0x15: {  	[smem:$0x3FB7] =	sst s0;
	s0 =	simm.s32 @!p2 $0x0  }
0x16: {  	s3 =	sld [smem:$0x3FDB];
	s0 =	simm.s32 @p2 $0x1  }
0x17: {  	s4 =	simm.s32 $0x1BF5;
	[smem:$0x3FB9] =	sst s0  }
0x18: {  	s0 =	sld [smem:$0x3F9C];
	_ =	swait.ge [sflag:s4], $0x0  }
0x19: {  	s7 =	sld [smem:$0x3F9D]  }
0x1a: {  	s8 =	sadd.s32 $0xFFFFE003, lr  }
0x1b: {  	s9 =	sadd.s32 $0xFFFFFEF7, lr;
	s5 =	simm.s32 $0xFFFFFFFF;
	p2 =	slt.u32 s8, $0xFFFFF086  }
0x1c: {  	p1 =	slt.u32 s9, $0xF7A;
	s5 =	simm.s32 @!p2 $0x0  }
0x1d: {  	s5 =	simm.s32 @p1 $0x1;
	p0 =	seq.s32 s7, s2  }
0x1e: {  	s7 =	smul.u32 @!p0 $0xF7A, s2;
	p2 =	seq.s32 @!p0 s5, $0x0  }
0x1f: {  	s9 =	smul.u32 $0xF7A, s1;
	s8 =	simm.s32 @!p0 $0x1BF5;
	p2 =	por !p2, p0  }
0x20: {  	[sflag:s8] =	ssyncset.s32 @!p0 $0xFFFFF086;
	s6 =	sadd.s32 @!p0 s3, s7;
	s7 =	simm.s32 @!p0 $0x108  }
0x21: {  	s3 =	sadd.s32 s3, s9;
	s6 =	sadd.s32 @!p0 $0x88, s6;
	s7 =	simm.s32 @p2 $0x1082  }
0x22: {  	[simem:s7], [sflag:s8] =	dma.local @!p0 [hbm:s6], $0xF7A  }
0x23: {  	s9 =	sor.u32 $0xD0000000, s2;
	s6 =	simm.s32 $0x108;
	_ =	swait.ge @!p0 [sflag:s8], $0x0  }
0x24: {  	s3 =	sadd.s32 $0x88, s3;
	s6 =	simm.s32 @!p1 $0x1082;
	[sflag:s4] =	ssyncset.s32 $0xFFFFF086  }
0x25: {  	[simem:s6], [sflag:s4] =	dma.local [hbm:s3], $0xF7A  }
0x26: {  	[smem:$0x3F9D] =	sst s1;
	(tag) =	ssettag s2;
	_ =	strace s9  }
0x27: {  	s1 =	sld [smem:$0x3FAD]  }
0x28: {  	s2 =	sld [smem:$0x3FAE]  }
0x29: {  	s4 =	sld [smem:$0x3FB0]  }
0x2a: {  	p0 =	seq.s32 s5, $0x0;
	s5 =	sld [smem:$0x3FB1]  }
0x2b: {  	s6 =	sld [smem:$0x3FB2]  }
0x2c: {  	s7 =	sld [smem:$0x3FB3]  }
0x2d: {  	s3 =	simm.s32 $0x108;
	s8 =	sld [smem:$0x3FB4]  }
0x2e: {  	s3 =	simm.s32 @!p0 $0x1082;
	s9 =	sld [smem:$0x3FB5]  }
0x2f: {  	lr =	sadd.s32 s0, s3;
	s0 =	sld [smem:$0x3FAC]  }
0x30: {  	s3 =	sld [smem:$0x3FAF]  }
0x31: {  	[smem:$0x3FB8] =	sst s10  }
0x32: {  	s10 =	sld [smem:$0x3FB6];
	_ =	sdelay $0x3  }
0x33: {  	p0 =	seq.s32 s10, $0x1;
	s10 =	sld [smem:$0x3FB8];
	_ =	sdelay $0x3  }
0x34: {  	[smem:$0x3FB8] =	sst s10  }
0x35: {  	s10 =	sld [smem:$0x3FB7];
	_ =	sdelay $0x3  }
0x36: {  	p1 =	seq.s32 s10, $0x1;
	s10 =	sld [smem:$0x3FB8];
	_ =	sdelay $0x3  }
0x37: {  	[smem:$0x3FB8] =	sst s10  }
0x38: {  	s10 =	sld [smem:$0x3FB9]  }
0x39: {  	_ = 	snop;
	(pc) =	sbr.ind lr, $3  }
0x3a: {  	_ = 	snop  }
0x3b: {  	_ = 	snop  }
0x3c: {  	p2 =	seq.s32 s10, $0x1;
	s10 =	sld [smem:$0x3FB8]  }
0x3d: {  	_ =	shalt  }
0x3e: {  	_ =	shalt  }
0x3f: {  	_ =	shalt  }
0x40: {  	_ =	shalt  }
0x41: {  	_ =	shalt  }
0x42: {  	_ =	shalt  }
0x43: {  	_ =	shalt  }
0x44: {  	_ =	shalt  }
0x45: {  	_ =	shalt  }
0x46: {  	_ =	shalt  }
0x47: {  	_ =	shalt  }
0x48: {  	_ =	shalt  }
0x49: {  	_ =	shalt  }
0x4a: {  	_ =	shalt  }
0x4b: {  	_ =	shalt  }
0x4c: {  	_ =	shalt  }
0x4d: {  	_ =	shalt  }
0x4e: {  	_ =	shalt  }
0x4f: {  	_ =	shalt  }
0x50: {  	_ =	shalt  }
0x51: {  	_ =	shalt  }
0x52: {  	_ =	shalt  }
0x53: {  	_ =	shalt  }
0x54: {  	_ =	shalt  }
0x55: {  	_ =	shalt  }
0x56: {  	_ =	shalt  }
0x57: {  	_ =	shalt  }
0x58: {  	_ =	shalt  }
0x59: {  	_ =	shalt  }
0x5a: {  	_ =	shalt  }
0x5b: {  	_ =	shalt  }
0x5c: {  	_ =	shalt  }
0x5d: {  	_ =	shalt  }
0x5e: {  	_ =	shalt  }
0x5f: {  	_ =	shalt  }
0x60: {  	_ =	shalt  }
0x61: {  	_ =	shalt  }
0x62: {  	_ =	shalt  }
0x63: {  	_ =	shalt  }
0x64: {  	_ =	shalt  }
0x65: {  	_ =	shalt  }
0x66: {  	_ =	shalt  }
0x67: {  	_ =	shalt  }
0x68: {  	_ =	shalt  }
0x69: {  	_ =	shalt  }
0x6a: {  	_ =	shalt  }
0x6b: {  	_ =	shalt  }
0x6c: {  	_ =	shalt  }
0x6d: {  	_ =	shalt  }
0x6e: {  	_ =	shalt  }
0x6f: {  	_ =	shalt  }
0x70: {  	_ =	shalt  }
0x71: {  	_ =	shalt  }
0x72: {  	_ =	shalt  }
0x73: {  	_ =	shalt  }
0x74: {  	_ =	shalt  }
0x75: {  	_ =	shalt  }
0x76: {  	_ =	shalt  }
0x77: {  	_ =	shalt  }
0x78: {  	_ =	shalt  }
0x79: {  	_ =	shalt  }
0x7a: {  	_ =	shalt  }
0x7b: {  	_ =	shalt  }
0x7c: {  	_ =	shalt  }
0x7d: {  	_ =	shalt  }
0x7e: {  	_ =	shalt  }
0x7f: {  	_ =	shalt  }
0x80: {  	_ =	shalt  }
0x81: {  	_ =	shalt  }
0x82: {  	_ =	shalt  }
0x83: {  	_ =	shalt  }
0x84: {  	_ =	shalt  }
0x85: {  	_ =	shalt  }
0x86: {  	_ =	shalt  }
0x87: {  	_ =	shalt  }
.Lfunc_end0:
.L_simem_size_0:
called_computation_lowered:
.L_overlay_start_0:
0x88: {  	s2 =	sld [smem:$0x3FD9]  }
0x89: {  	s3 =	sld [smem:$0x3FFE];
	_ =	sdelay $0x1  }
0x8a: {  	s1 =	srdreg.scid  }
0x8b: {  	s0 =	sand.u32 $0x1, s1  }
0x8c: {  	s17 =	sshll.u32 s0, $0xA;
	s2 =	sadd.s32 s3, s2  }
0x8d: {  	s2 =	sadd.s32 s2, s17  }
0x8e: {  	[smem:$0x3FC4] =	sst s2  }
0x8f: {  	_ = 	snop  }
0x90: {  	s2 =	sld [smem:$0x3FC8]  }
0x91: {  	s18 =	sld [smem:$0x3FC7];
	(tm) =	ssettm $0x1  }
0x92: {  	s4 =	sld [smem:$0x3FFB];
	_ =	sdelay $0x3  }
0x93: {  	_ =	strace s4  }
0x94: {  	s4 =	sld [smem:$0x3FFC];
	_ =	sdelay $0x3  }
0x95: {  	_ =	strace s4  }
0x96: {  	s4 =	sld [smem:$0x3FFD];
	_ =	sdelay $0x3  }
0x97: {  	_ =	strace s4  }
0x98: {  	_ =	strace $0x8FFFFFFF  }
0x99: {  	s19 =	sld [smem:$0x3FDB];
	_ =	sdelay $0x1  }
0x9a: {  	s5 =	simm.s32 $_scs_section_size  }
0x9b: {  	s6 =	simm.s32 $_size__tile_overlayer_lowered;
	s7 =	simm.s32 $_tile_overlayer_lowered  }
0x9c: {  	s22 =	simm.s32 $0x1BFF;
	s21 =	sshll.u32 s7, $0x1;
	s4 =	sadd.s32 s5, s19  }
0x9d: {  	s8 =	simm.s32 $0x0;
	s20 =	sshll.u32 s6, $0x1;
	s6 =	sadd.s32 s21, s4  }
0x9e: {  	[timem:s8], [sflag:s22] =	dma.local [hbm:s6], s20  }
0x9f: {  	_ =	swait.ge [sflag:s22], s20  }
0xa0: {  	s5 =	ssub.s32 $0x0, s20;
	[sflag:s22] =	ssyncset.done $0x0  }
0xa1: {  	[sflag:s22] =	ssyncadd.s32 s5;
	_ =	sdelay $0x1  }
0xa2: {  	s23 =	simm.s32 $0x1B8B  }
0xa3: {  	_ =	swait.ge [sflag:s23], $0x1  }
0xa4: {  	[sflag:s23] =	ssyncset.done $0x0  }
0xa5: {  	s25 =	simm.s32 $0x1B8E;
	s24 =	sld [smem:$0x3FFE];
	[sflag:s23] =	ssyncadd.s32 $0xFFFFFFFF  }
0xa6: {  	s26 =	simm.s32 $execute0_lowered;
	[smem:$0x3FD2] =	sst s25  }
0xa7: {  	s6 =	sshll.u32 s26, $0x1;
	_ =	strace $0x80000046;
	[dreg:$0x1] =	wrdreg $0xFFFFFFFF  }
0xa8: {  	s28 =	simm.s32 $_size_execute0_lowered;
	s4 =	sadd.s32 s4, s6;
	[dreg:$0x0] =	wrdreg $0x0  }
0xa9: {  	s6 =	sshll.u32 s28, $0x1;
	[dreg:$0x2] =	wrdreg s4  }
0xaa: {  	[dreg:$0x3] =	wrdreg s6  }
0xab: {  	[dreg:$0x4] =	wrdreg $0xC0  }
0xac: {  	_ =	task [dreg:s8], $0x5FFFF  }
0xad: {  	[dreg:$0x1] =	wrdreg $0xFFFFFFFF  }
0xae: {  	[dreg:$0x0] =	wrdreg $0x60  }
0xaf: {  	[dreg:$0x2] =	wrdreg s18  }
0xb0: {  	[dreg:$0x3] =	wrdreg s2  }
0xb1: {  	[dreg:$0x4] =	wrdreg s24  }
0xb2: {  	[dreg:$0x5] =	wrdreg $0x9  }
0xb3: {  	_ =	task.clear_ibuf [dreg:s8], $0x6FFFF;
	_ =	strace $0x90000046  }
0xb4: {  	s29 =	simm.s32 $0x9;
	_ =	strace $0x80000048  }
0xb5: {  	_ =	swait.ge [sflag:s29], $0x1  }
0xb6: {  	[sflag:s29] =	ssyncadd.s32 $0xFFFFFFFF  }
0xb7: {  	_ =	strace $0x90000048  }
0xb8: {  	_ =	sfence  }
0xb9: {  	s30 =	sld [smem:$0x0];
	_ =	sdelay $0x2  }
0xba: {  	s31 =	sshll.u32 s1, $0xD;
	s1 =	sshrl.u32 s1, $0x2  }
0xbb: {  	s3 =	sand.u32 $0x4000, s31;
	s1 =	sadd.s32 s1, s30  }
0xbc: {  	s0 =	sor.u32 s3, s0;
	s1 =	sshll.u32 s1, $0x11  }
0xbd: {  	s0 =	sor.u32 s1, s0  }
0xbe: {  	s0 =	sadd.s32 $0x8F2B, s0  }
0xbf: {  	[sflag:s0] =	ssyncadd.remote.s32 $0x1  }
0xc0: {  	_ =	sfence.sel $0xFFFF  }
0xc1: {  	[dreg:$0x0] =	wrdreg $0xFFFFFFFF;
	(pc) =	sbr.abs _section_cstart, $3  }
0xc2: {  	[dreg:$0x1] =	wrdreg $0xFFFFFFFF  }
0xc3: {  	_ =	task.clear_ibuf [dreg:s8], $0x2FFFF;
	_ =	strace $0x9FFFFFFF  }
0xc4: {  	(tm) =	ssettm $0x7FFFFFFF  }
0xc5: {  	_ =	shalt  }
tec
execute0_lowered:
.L_overlay_start_1:
0x0: {  	(tag) =	ssettag $0x1  }
0x1: {  	s1 =	rddreg [dreg:$0x0]  }
0x2: {  	s4 =	rddreg [dreg:$0x1]  }
0x3: {  	s5 =	rddreg [dreg:$0x2];
	s3 =	srdreg.scid  }
0x4: {  	s0 =	rddreg [dreg:$0x3];
	s2 =	stileid.u32;
	s10 =	simm.s32 $0x1080  }
0x5: {  	s11 =	simm.s32 $0x1880;
	s12 =	simm.s32 $0x2080;
	s13 =	simm.s32 $0x2880  }
0x6: {  	s14 =	simm.s32 $0x3080;
	s15 =	simm.s32 $0x3880;
	s16 =	simm.s32 $0x4080  }
0x7: {  	s17 =	simm.s32 $0x4880;
	s18 =	simm.s32 $0x5080;
	s19 =	simm.s32 $0x5880  }
0x8: {  	s20 =	simm.s32 $0x6080;
	s21 =	simm.s32 $0x6880;
	s22 =	simm.s32 $0x7080  }
0x9: {  	s23 =	simm.s32 $0x7880;
	s24 =	simm.s32 $0x1;
	s6 =	sand.u32 $0x1, s3  }
0xa: {  	s3 =	simm.s32 $0x0;
	s7 =	sshll.u32 s2, $0x8;
	s8 =	sshll.u32 s6, $0x7  }
0xb: {  	[smem:$0x7FF] =	sst s3;
	s6 =	ssub.s32 $0x2, s6;
	s7 =	sor.u32 s8, s7  }
0xc: {  	_ =	strace $0x80000047;
	s9 =	sshrl.u32 s6, $0x1;
	s8 =	sshll.u32 s7, $0x5  }
0xd: {  	v2 =	vlaneseq.u32;
	s6 =	ssub.s32 s6, s9;
	s7 =	sshrl.u32 s7, $0x3;
	s9 =	simm.s32 $0x880  }
0xe: {  	vm0 =	vmmov $0xffff;
	v1 =	vshrl.u32 v2, $0x3;
	s5 =	sadd.s32 s8, s5;
	s4 =	sadd.s32 s4, s7;
	s6 =	smax.u32 s6, $0x1  }
0xf: {  	v0 =	vand.u32 $0x7, v2;
	v2 =	vor.u32 $0x8, v2;
	v1 =	vmul.u32 $0x8, v1;
	s7 =	simm.s32 $0x2;
	s8 =	simm.s32 $0x80;
	s5 =	sadd.s32 $0xE00, s5  }
.LBB2_1:
0x10: {  	[tilespmem:s3], [sflag:$0x2] =	stream.linear.gather [hbm4b:s4+s3], $0x80, $0x38;
	[tilespmem:$0x8080] =	vst v63  }
0x11: {  	_ =	swait.ge [sflag:s7], $0x80  }
0x12: {  	[sflag:s7] =	ssyncset.done $0x0  }
0x13: {  	[sflag:s7] =	ssyncadd.s32 $0xFFFFFF80  }
0x14: {  	v3 =	vld [tilespmem:$0x0];
	_ =	sdelay $0x4  }
0x15: {  	v4 =	vshll.u32 v3, $0x1  }
0x16: {  	v3 =	vand.u32 $0x7, v3;
	v4 =	vand.u32 $0xFFFFFFF0, v4  }
0x17: {  	v3 =	vor.u32 v3, v4  }
0x18: {  	v4 =	vperm.xlane v3, v0;
	_ =	sdelay $0x1  }
0x19: {  	v3 =	vperm.xlane v3, v2;
	v4 =	vadd.s32 v1, v4;
	_ =	sdelay $0x1  }
0x1a: {  	v3 =	vadd.s32 v1, v3;
	_ =	sdelay $0x2  }
0x1b: {  	[tilespmem:s8], [sflag:$0x1] =	stream.indirect_vreg.gather [hbm4b:s1+s3], $0x80, v4, vm0, $0xb8;
	[tilespmem:$0x8080] =	vst v63  }
0x1c: {  	_ = 	snop  }
0x1d: {  	[tilespmem:s9], [sflag:$0x1] =	stream.indirect_vreg.gather [hbm4b:s1+s3], $0x80, v3, vm0, $0xb8;
	[tilespmem:$0x8080] =	vst v63  }
0x1e: {  	v3 =	vld [tilespmem:$0x10];
	_ =	sdelay $0x4  }
0x1f: {  	v57 =	vshll.u32 v3, $0x1  }
0x20: {  	v3 =	vand.u32 $0x7, v3;
	v4 =	vand.u32 $0xFFFFFFF0, v57  }
0x21: {  	v3 =	vor.u32 v3, v4  }
0x22: {  	v4 =	vperm.xlane v3, v0;
	_ =	sdelay $0x1  }
0x23: {  	v3 =	vperm.xlane v3, v2;
	v4 =	vadd.s32 v1, v4;
	_ =	sdelay $0x1  }
0x24: {  	v3 =	vadd.s32 v1, v3;
	_ =	sdelay $0x2  }
0x25: {  	[tilespmem:s10], [sflag:$0x1] =	stream.indirect_vreg.gather [hbm4b:s1+s3], $0x80, v4, vm0, $0xb8;
	[tilespmem:$0x8080] =	vst v63  }
0x26: {  	_ = 	snop  }
0x27: {  	[tilespmem:s11], [sflag:$0x1] =	stream.indirect_vreg.gather [hbm4b:s1+s3], $0x80, v3, vm0, $0xb8;
	[tilespmem:$0x8080] =	vst v63  }
0x28: {  	v3 =	vld [tilespmem:$0x20];
	_ =	sdelay $0x4  }
0x29: {  	v58 =	vshll.u32 v3, $0x1  }
0x2a: {  	v3 =	vand.u32 $0x7, v3;
	v4 =	vand.u32 $0xFFFFFFF0, v58  }
0x2b: {  	v3 =	vor.u32 v3, v4  }
0x2c: {  	v4 =	vperm.xlane v3, v0;
	_ =	sdelay $0x1  }
0x2d: {  	v3 =	vperm.xlane v3, v2;
	v4 =	vadd.s32 v1, v4;
	_ =	sdelay $0x1  }
0x2e: {  	v3 =	vadd.s32 v1, v3;
	_ =	sdelay $0x2  }
0x2f: {  	[tilespmem:s12], [sflag:$0x1] =	stream.indirect_vreg.gather [hbm4b:s1+s3], $0x80, v4, vm0, $0xb8;
	[tilespmem:$0x8080] =	vst v63  }
0x30: {  	_ = 	snop  }
0x31: {  	[tilespmem:s13], [sflag:$0x1] =	stream.indirect_vreg.gather [hbm4b:s1+s3], $0x80, v3, vm0, $0xb8;
	[tilespmem:$0x8080] =	vst v63  }
0x32: {  	v3 =	vld [tilespmem:$0x30];
	_ =	sdelay $0x4  }
0x33: {  	v59 =	vshll.u32 v3, $0x1  }
0x34: {  	v3 =	vand.u32 $0x7, v3;
	v4 =	vand.u32 $0xFFFFFFF0, v59  }
0x35: {  	v3 =	vor.u32 v3, v4  }
0x36: {  	v4 =	vperm.xlane v3, v0;
	_ =	sdelay $0x1  }
0x37: {  	v3 =	vperm.xlane v3, v2;
	v4 =	vadd.s32 v1, v4;
	_ =	sdelay $0x1  }
0x38: {  	v3 =	vadd.s32 v1, v3;
	_ =	sdelay $0x2  }
0x39: {  	[tilespmem:s14], [sflag:$0x1] =	stream.indirect_vreg.gather [hbm4b:s1+s3], $0x80, v4, vm0, $0xb8;
	[tilespmem:$0x8080] =	vst v63  }
0x3a: {  	_ = 	snop  }
0x3b: {  	[tilespmem:s15], [sflag:$0x1] =	stream.indirect_vreg.gather [hbm4b:s1+s3], $0x80, v3, vm0, $0xb8;
	[tilespmem:$0x8080] =	vst v63  }
0x3c: {  	v3 =	vld [tilespmem:$0x40];
	_ =	sdelay $0x4  }
0x3d: {  	v60 =	vshll.u32 v3, $0x1  }
0x3e: {  	v3 =	vand.u32 $0x7, v3;
	v4 =	vand.u32 $0xFFFFFFF0, v60  }
0x3f: {  	v3 =	vor.u32 v3, v4  }
0x40: {  	v4 =	vperm.xlane v3, v0;
	_ =	sdelay $0x1  }
0x41: {  	v3 =	vperm.xlane v3, v2;
	v4 =	vadd.s32 v1, v4;
	_ =	sdelay $0x1  }
0x42: {  	v3 =	vadd.s32 v1, v3;
	_ =	sdelay $0x2  }
0x43: {  	[tilespmem:s16], [sflag:$0x1] =	stream.indirect_vreg.gather [hbm4b:s1+s3], $0x80, v4, vm0, $0xb8;
	[tilespmem:$0x8080] =	vst v63  }
0x44: {  	_ = 	snop  }
0x45: {  	[tilespmem:s17], [sflag:$0x1] =	stream.indirect_vreg.gather [hbm4b:s1+s3], $0x80, v3, vm0, $0xb8;
	[tilespmem:$0x8080] =	vst v63  }
0x46: {  	v3 =	vld [tilespmem:$0x50];
	_ =	sdelay $0x4  }
0x47: {  	v61 =	vshll.u32 v3, $0x1  }
0x48: {  	v3 =	vand.u32 $0x7, v3;
	v4 =	vand.u32 $0xFFFFFFF0, v61  }
0x49: {  	v3 =	vor.u32 v3, v4  }
0x4a: {  	v4 =	vperm.xlane v3, v0;
	_ =	sdelay $0x1  }
0x4b: {  	v3 =	vperm.xlane v3, v2;
	v4 =	vadd.s32 v1, v4;
	_ =	sdelay $0x1  }
0x4c: {  	v3 =	vadd.s32 v1, v3;
	_ =	sdelay $0x2  }
0x4d: {  	[tilespmem:s18], [sflag:$0x1] =	stream.indirect_vreg.gather [hbm4b:s1+s3], $0x80, v4, vm0, $0xb8;
	[tilespmem:$0x8080] =	vst v63  }
0x4e: {  	_ = 	snop  }
0x4f: {  	[tilespmem:s19], [sflag:$0x1] =	stream.indirect_vreg.gather [hbm4b:s1+s3], $0x80, v3, vm0, $0xb8;
	[tilespmem:$0x8080] =	vst v63  }
0x50: {  	v3 =	vld [tilespmem:$0x60];
	_ =	sdelay $0x4  }
0x51: {  	v62 =	vshll.u32 v3, $0x1  }
0x52: {  	v3 =	vand.u32 $0x7, v3;
	v4 =	vand.u32 $0xFFFFFFF0, v62  }
0x53: {  	v3 =	vor.u32 v3, v4  }
0x54: {  	v4 =	vperm.xlane v3, v0;
	_ =	sdelay $0x1  }
0x55: {  	v3 =	vperm.xlane v3, v2;
	v4 =	vadd.s32 v1, v4;
	_ =	sdelay $0x1  }
0x56: {  	v3 =	vadd.s32 v1, v3;
	_ =	sdelay $0x2  }
0x57: {  	[tilespmem:s20], [sflag:$0x1] =	stream.indirect_vreg.gather [hbm4b:s1+s3], $0x80, v4, vm0, $0xb8;
	[tilespmem:$0x8080] =	vst v63  }
0x58: {  	_ = 	snop  }
0x59: {  	[tilespmem:s21], [sflag:$0x1] =	stream.indirect_vreg.gather [hbm4b:s1+s3], $0x80, v3, vm0, $0xb8;
	[tilespmem:$0x8080] =	vst v63  }
0x5a: {  	v3 =	vld [tilespmem:$0x70];
	_ =	sdelay $0x4  }
0x5b: {  	v63 =	vshll.u32 v3, $0x1  }
0x5c: {  	v3 =	vand.u32 $0x7, v3;
	v4 =	vand.u32 $0xFFFFFFF0, v63  }
0x5d: {  	v3 =	vor.u32 v3, v4  }
0x5e: {  	v4 =	vperm.xlane v3, v0;
	_ =	sdelay $0x1  }
0x5f: {  	v3 =	vperm.xlane v3, v2;
	v4 =	vadd.s32 v1, v4;
	_ =	sdelay $0x1  }
0x60: {  	v3 =	vadd.s32 v1, v3;
	_ =	sdelay $0x2  }
0x61: {  	[tilespmem:s22], [sflag:$0x1] =	stream.indirect_vreg.gather [hbm4b:s1+s3], $0x80, v4, vm0, $0xb8;
	[tilespmem:$0x8080] =	vst v63  }
0x62: {  	_ = 	snop  }
0x63: {  	[tilespmem:s23], [sflag:$0x1] =	stream.indirect_vreg.gather [hbm4b:s1+s3], $0x80, v3, vm0, $0xb8;
	[tilespmem:$0x8080] =	vst v63  }
0x64: {  	_ =	swait.ge [sflag:s24], $0x8000  }
0x65: {  	p0 =	sne.s32 s6, $0x1;
	[sflag:s24] =	ssyncset.done $0x0  }
.Ltmp0:
0x66: {  	[sflag:s24] =	ssyncadd.s32 $0xFFFF8000;
	(pc) =	sbr.rel @p0 .LBB2_1-.Ltmp0, $4  }
0x67: {  	[hbm4b:s5+s3] =	stream.linear.scatter [tilespmem:s8], [sflag:$0x2], $0x8000, $0x38;
	[tilespmem:$0x8080] =	vst v63  }
0x68: {  	_ =	swait.ge [sflag:s7], $0x8000  }
0x69: {  	[sflag:s7] =	ssyncset.done $0x0  }
0x6a: {  	s6 =	sadd.s32 $0xFFFFFFFF, s6;
	[sflag:s7] =	ssyncadd.s32 $0xFFFF8000  }
0x6b: {  	_ =	sfence.sel $0x180000  }
0x6c: {  	[bflag:$0x0] =	sbarrier.arrive $0xFFFF  }
0x6d: {  	p0 =	sne.s32 s2, $0x0;
	_ =	strace $0x90000047  }
0x6e: {  	s0 =	sadd.s32 @!p0 $0x100000, s0;
	[bflag:$0x2] =	sbarrier.arrive $0xFFFF  }
0x6f: {  	[sflag:s0] =	ssyncadd.tile.s32 @!p0 $0x1;
	_ =	shalt  }
.Lfunc_end2:
_tile_overlayer_lowered:
.L_overlay_start_2:
0x70: {  	(tag) =	ssettag $0x2  }
0x71: {  	s0 =	rddreg [dreg:$0x0];
	s2 =	stileid.u32  }
0x72: {  	s1 =	rddreg [dreg:$0x1];
	p0 =	sne.s32 s2, $0x0  }
0x73: {  	s3 =	rddreg [dreg:$0x2];
	[bflag:$0x3] =	sbarrier.arrive $0xFFFF;
	s2 =	simm.s32 @!p0 $0x1C02  }
0x74: {  	[timem:s3], [sflag:s2] =	dma.local @!p0 [hbm:s0], s1  }
0x75: {  	s0 =	simm.s32 @!p0 $0x2  }
0x76: {  	_ =	swait.ge @!p0 [sflag:s0], s1  }
0x77: {  	s1 =	ssub.s32 @!p0 $0x0, s1;
	[sflag:s0] =	ssyncset.done @!p0 $0x0  }
0x78: {  	[sflag:s0] =	ssyncadd.s32 @!p0 s1  }
0x79: {  	[bflag:$0x3] =	sbarrier.arrive $0xFFFF  }
0x7a: {  	_ =	shalt  }

// kernel: sc_scatter_winners.3.cloned.1.call-start
scs
__scs_entry_jumppad:
0x0: {  	(pc) =	sbr.rel $0x88, $3  }
0x1: {  	(tag) =	ssettag $0x0;
	lr =	simm.s32 $0x1  }
0x2: {  	[smem:$0x3F9D] =	sst lr;
	_ =	strace $0xD0000000  }
0x3: {  	_ = 	snop  }
0x4: {  	_ = 	snop  }
0x5: {  	_ = 	snop  }
0x6: {  	_ = 	snop  }
0x7: {  	_ = 	snop  }
__scs_overlays_trampoline_lowered:
0x8: {  	[smem:$0x3FAC] =	sst s0  }
0x9: {  	[smem:$0x3FAD] =	sst s1  }
0xa: {  	[smem:$0x3FAE] =	sst s2  }
0xb: {  	[smem:$0x3FAF] =	sst s3  }
0xc: {  	[smem:$0x3FB0] =	sst s4  }
0xd: {  	[smem:$0x3FB1] =	sst s5  }
0xe: {  	[smem:$0x3FB2] =	sst s6  }
0xf: {  	[smem:$0x3FB3] =	sst s7  }
0x10: {  	[smem:$0x3FB4] =	sst s8  }
0x11: {  	[smem:$0x3FB5] =	sst s9;
	s0 =	simm.s32 @!p0 $0x0  }
0x12: {  	s1 =	sld [smem:$0x3F9B];
	s0 =	simm.s32 @p0 $0x1  }
0x13: {  	[smem:$0x3FB6] =	sst s0;
	s0 =	simm.s32 @!p1 $0x0  }
0x14: {  	s2 =	sld [smem:$0x3F9A];
	s0 =	simm.s32 @p1 $0x1  }
0x15: {  	[smem:$0x3FB7] =	sst s0;
	s0 =	simm.s32 @!p2 $0x0  }
0x16: {  	s3 =	sld [smem:$0x3FDB];
	s0 =	simm.s32 @p2 $0x1  }
0x17: {  	s4 =	simm.s32 $0x1BF5;
	[smem:$0x3FB9] =	sst s0  }
0x18: {  	s0 =	sld [smem:$0x3F9C];
	_ =	swait.ge [sflag:s4], $0x0  }
0x19: {  	s7 =	sld [smem:$0x3F9D]  }
0x1a: {  	s8 =	sadd.s32 $0xFFFFE003, lr  }
0x1b: {  	s9 =	sadd.s32 $0xFFFFFEF7, lr;
	s5 =	simm.s32 $0xFFFFFFFF;
	p2 =	slt.u32 s8, $0xFFFFF086  }
0x1c: {  	p1 =	slt.u32 s9, $0xF7A;
	s5 =	simm.s32 @!p2 $0x0  }
0x1d: {  	s5 =	simm.s32 @p1 $0x1;
	p0 =	seq.s32 s7, s2  }
0x1e: {  	s7 =	smul.u32 @!p0 $0xF7A, s2;
	p2 =	seq.s32 @!p0 s5, $0x0  }
0x1f: {  	s9 =	smul.u32 $0xF7A, s1;
	s8 =	simm.s32 @!p0 $0x1BF5;
	p2 =	por !p2, p0  }
0x20: {  	[sflag:s8] =	ssyncset.s32 @!p0 $0xFFFFF086;
	s6 =	sadd.s32 @!p0 s3, s7;
	s7 =	simm.s32 @!p0 $0x108  }
0x21: {  	s3 =	sadd.s32 s3, s9;
	s6 =	sadd.s32 @!p0 $0x88, s6;
	s7 =	simm.s32 @p2 $0x1082  }
0x22: {  	[simem:s7], [sflag:s8] =	dma.local @!p0 [hbm:s6], $0xF7A  }
0x23: {  	s9 =	sor.u32 $0xD0000000, s2;
	s6 =	simm.s32 $0x108;
	_ =	swait.ge @!p0 [sflag:s8], $0x0  }
0x24: {  	s3 =	sadd.s32 $0x88, s3;
	s6 =	simm.s32 @!p1 $0x1082;
	[sflag:s4] =	ssyncset.s32 $0xFFFFF086  }
0x25: {  	[simem:s6], [sflag:s4] =	dma.local [hbm:s3], $0xF7A  }
0x26: {  	[smem:$0x3F9D] =	sst s1;
	(tag) =	ssettag s2;
	_ =	strace s9  }
0x27: {  	s1 =	sld [smem:$0x3FAD]  }
0x28: {  	s2 =	sld [smem:$0x3FAE]  }
0x29: {  	s4 =	sld [smem:$0x3FB0]  }
0x2a: {  	p0 =	seq.s32 s5, $0x0;
	s5 =	sld [smem:$0x3FB1]  }
0x2b: {  	s6 =	sld [smem:$0x3FB2]  }
0x2c: {  	s7 =	sld [smem:$0x3FB3]  }
0x2d: {  	s3 =	simm.s32 $0x108;
	s8 =	sld [smem:$0x3FB4]  }
0x2e: {  	s3 =	simm.s32 @!p0 $0x1082;
	s9 =	sld [smem:$0x3FB5]  }
0x2f: {  	lr =	sadd.s32 s0, s3;
	s0 =	sld [smem:$0x3FAC]  }
0x30: {  	s3 =	sld [smem:$0x3FAF]  }
0x31: {  	[smem:$0x3FB8] =	sst s10  }
0x32: {  	s10 =	sld [smem:$0x3FB6];
	_ =	sdelay $0x3  }
0x33: {  	p0 =	seq.s32 s10, $0x1;
	s10 =	sld [smem:$0x3FB8];
	_ =	sdelay $0x3  }
0x34: {  	[smem:$0x3FB8] =	sst s10  }
0x35: {  	s10 =	sld [smem:$0x3FB7];
	_ =	sdelay $0x3  }
0x36: {  	p1 =	seq.s32 s10, $0x1;
	s10 =	sld [smem:$0x3FB8];
	_ =	sdelay $0x3  }
0x37: {  	[smem:$0x3FB8] =	sst s10  }
0x38: {  	s10 =	sld [smem:$0x3FB9]  }
0x39: {  	_ = 	snop;
	(pc) =	sbr.ind lr, $3  }
0x3a: {  	_ = 	snop  }
0x3b: {  	_ = 	snop  }
0x3c: {  	p2 =	seq.s32 s10, $0x1;
	s10 =	sld [smem:$0x3FB8]  }
0x3d: {  	_ =	shalt  }
0x3e: {  	_ =	shalt  }
0x3f: {  	_ =	shalt  }
0x40: {  	_ =	shalt  }
0x41: {  	_ =	shalt  }
0x42: {  	_ =	shalt  }
0x43: {  	_ =	shalt  }
0x44: {  	_ =	shalt  }
0x45: {  	_ =	shalt  }
0x46: {  	_ =	shalt  }
0x47: {  	_ =	shalt  }
0x48: {  	_ =	shalt  }
0x49: {  	_ =	shalt  }
0x4a: {  	_ =	shalt  }
0x4b: {  	_ =	shalt  }
0x4c: {  	_ =	shalt  }
0x4d: {  	_ =	shalt  }
0x4e: {  	_ =	shalt  }
0x4f: {  	_ =	shalt  }
0x50: {  	_ =	shalt  }
0x51: {  	_ =	shalt  }
0x52: {  	_ =	shalt  }
0x53: {  	_ =	shalt  }
0x54: {  	_ =	shalt  }
0x55: {  	_ =	shalt  }
0x56: {  	_ =	shalt  }
0x57: {  	_ =	shalt  }
0x58: {  	_ =	shalt  }
0x59: {  	_ =	shalt  }
0x5a: {  	_ =	shalt  }
0x5b: {  	_ =	shalt  }
0x5c: {  	_ =	shalt  }
0x5d: {  	_ =	shalt  }
0x5e: {  	_ =	shalt  }
0x5f: {  	_ =	shalt  }
0x60: {  	_ =	shalt  }
0x61: {  	_ =	shalt  }
0x62: {  	_ =	shalt  }
0x63: {  	_ =	shalt  }
0x64: {  	_ =	shalt  }
0x65: {  	_ =	shalt  }
0x66: {  	_ =	shalt  }
0x67: {  	_ =	shalt  }
0x68: {  	_ =	shalt  }
0x69: {  	_ =	shalt  }
0x6a: {  	_ =	shalt  }
0x6b: {  	_ =	shalt  }
0x6c: {  	_ =	shalt  }
0x6d: {  	_ =	shalt  }
0x6e: {  	_ =	shalt  }
0x6f: {  	_ =	shalt  }
0x70: {  	_ =	shalt  }
0x71: {  	_ =	shalt  }
0x72: {  	_ =	shalt  }
0x73: {  	_ =	shalt  }
0x74: {  	_ =	shalt  }
0x75: {  	_ =	shalt  }
0x76: {  	_ =	shalt  }
0x77: {  	_ =	shalt  }
0x78: {  	_ =	shalt  }
0x79: {  	_ =	shalt  }
0x7a: {  	_ =	shalt  }
0x7b: {  	_ =	shalt  }
0x7c: {  	_ =	shalt  }
0x7d: {  	_ =	shalt  }
0x7e: {  	_ =	shalt  }
0x7f: {  	_ =	shalt  }
0x80: {  	_ =	shalt  }
0x81: {  	_ =	shalt  }
0x82: {  	_ =	shalt  }
0x83: {  	_ =	shalt  }
0x84: {  	_ =	shalt  }
0x85: {  	_ =	shalt  }
0x86: {  	_ =	shalt  }
0x87: {  	_ =	shalt  }
.Lfunc_end0:
.L_simem_size_0:
called_computation.1_lowered:
.L_overlay_start_0:
0x88: {  	s2 =	sld [smem:$0x3FD9]  }
0x89: {  	s3 =	sld [smem:$0x3FFE];
	_ =	sdelay $0x1  }
0x8a: {  	s1 =	srdreg.scid  }
0x8b: {  	s0 =	sand.u32 $0x1, s1  }
0x8c: {  	s14 =	sshll.u32 s0, $0xA;
	s2 =	sadd.s32 s3, s2  }
0x8d: {  	s2 =	sadd.s32 s2, s14  }
0x8e: {  	[smem:$0x3FC4] =	sst s2  }
0x8f: {  	_ = 	snop  }
0x90: {  	s2 =	sld [smem:$0x3FD0];
	_ =	sdelay $0x2  }
0x91: {  	s4 =	simm.s32 $0xA;
	s5 =	simm.s32 $0x10;
	s15 =	sld [smem:$0x3FC8]  }
0x92: {  	[smem:s5], [sflag:s4] =	dma.local [hbm:s2], $0x1  }
0x93: {  	_ =	swait.eq [sflag:s4], $0x1  }
0x94: {  	[sflag:s4] =	ssyncset.done $0x0  }
0x95: {  	[sflag:s4] =	ssyncadd.s32 $0xFFFFFFFF  }
0x96: {  	s16 =	sld [smem:$0x11];
	(tm) =	ssettm $0x1  }
0x97: {  	s17 =	sld [smem:$0x3FFB];
	_ =	sdelay $0x3  }
0x98: {  	_ =	strace s17  }
0x99: {  	s4 =	sld [smem:$0x3FFC];
	_ =	sdelay $0x3  }
0x9a: {  	_ =	strace s4  }
0x9b: {  	s4 =	sld [smem:$0x3FFD];
	_ =	sdelay $0x3  }
0x9c: {  	_ =	strace s4  }
0x9d: {  	_ =	strace $0x8FFFFFFF  }
0x9e: {  	s18 =	sld [smem:$0x3FDB];
	_ =	sdelay $0x1  }
0x9f: {  	s19 =	simm.s32 $_scs_section_size  }
0xa0: {  	s6 =	simm.s32 $_size__tile_overlayer_lowered;
	s7 =	simm.s32 $_tile_overlayer_lowered  }
0xa1: {  	s22 =	simm.s32 $0x1BFF;
	s21 =	sshll.u32 s7, $0x1;
	s4 =	sadd.s32 s19, s18  }
0xa2: {  	s8 =	simm.s32 $0x0;
	s20 =	sshll.u32 s6, $0x1;
	s6 =	sadd.s32 s21, s4  }
0xa3: {  	[timem:s8], [sflag:s22] =	dma.local [hbm:s6], s20  }
0xa4: {  	_ =	swait.ge [sflag:s22], s20  }
0xa5: {  	s5 =	ssub.s32 $0x0, s20;
	[sflag:s22] =	ssyncset.done $0x0  }
0xa6: {  	[sflag:s22] =	ssyncadd.s32 s5;
	_ =	sdelay $0x1  }
0xa7: {  	s23 =	simm.s32 $0x1B8B  }
0xa8: {  	_ =	swait.ge [sflag:s23], $0x1  }
0xa9: {  	[sflag:s23] =	ssyncset.done $0x0  }
0xaa: {  	s25 =	simm.s32 $0x1B8E;
	s24 =	sld [smem:$0x3FFE];
	[sflag:s23] =	ssyncadd.s32 $0xFFFFFFFF  }
0xab: {  	s26 =	simm.s32 $execute0_lowered;
	[smem:$0x3FD2] =	sst s25  }
0xac: {  	s6 =	sshll.u32 s26, $0x1;
	_ =	strace $0x80000049;
	[dreg:$0x1] =	wrdreg $0xFFFFFFFF  }
0xad: {  	s28 =	simm.s32 $_size_execute0_lowered;
	s4 =	sadd.s32 s4, s6;
	[dreg:$0x0] =	wrdreg $0x0  }
0xae: {  	s6 =	sshll.u32 s28, $0x1;
	[dreg:$0x2] =	wrdreg s4  }
0xaf: {  	[dreg:$0x3] =	wrdreg s6  }
0xb0: {  	[dreg:$0x4] =	wrdreg $0xC0  }
0xb1: {  	_ =	task [dreg:s8], $0x5FFFF  }
0xb2: {  	[dreg:$0x1] =	wrdreg $0xFFFFFFFF  }
0xb3: {  	[dreg:$0x0] =	wrdreg $0x60  }
0xb4: {  	[dreg:$0x2] =	wrdreg s24  }
0xb5: {  	[dreg:$0x3] =	wrdreg s15  }
0xb6: {  	[dreg:$0x4] =	wrdreg s16  }
0xb7: {  	[dreg:$0x5] =	wrdreg $0x9  }
0xb8: {  	_ =	task.clear_ibuf [dreg:s8], $0x6FFFF;
	_ =	strace $0x90000049  }
0xb9: {  	s29 =	simm.s32 $0x9;
	_ =	strace $0x8000004B  }
0xba: {  	_ =	swait.ge [sflag:s29], $0x1  }
0xbb: {  	[sflag:s29] =	ssyncadd.s32 $0xFFFFFFFF  }
0xbc: {  	_ =	strace $0x9000004B  }
0xbd: {  	_ =	sfence  }
0xbe: {  	s30 =	sld [smem:$0x0];
	_ =	sdelay $0x2  }
0xbf: {  	s31 =	sshll.u32 s1, $0xD;
	s1 =	sshrl.u32 s1, $0x2  }
0xc0: {  	s3 =	sand.u32 $0x4000, s31;
	s1 =	sadd.s32 s1, s30  }
0xc1: {  	s0 =	sor.u32 s3, s0;
	s1 =	sshll.u32 s1, $0x11  }
0xc2: {  	s0 =	sor.u32 s1, s0  }
0xc3: {  	s0 =	sadd.s32 $0x8F2B, s0  }
0xc4: {  	[sflag:s0] =	ssyncadd.remote.s32 $0x1  }
0xc5: {  	_ =	sfence.sel $0xFFFF  }
0xc6: {  	[dreg:$0x0] =	wrdreg $0xFFFFFFFF;
	(pc) =	sbr.abs _section_cstart, $3  }
0xc7: {  	[dreg:$0x1] =	wrdreg $0xFFFFFFFF  }
0xc8: {  	_ =	task.clear_ibuf [dreg:s8], $0x2FFFF;
	_ =	strace $0x9FFFFFFF  }
0xc9: {  	(tm) =	ssettm $0x7FFFFFFF  }
tec
execute0_lowered:
.L_overlay_start_1:
0x0: {  	(tag) =	ssettag $0x1  }
0x1: {  	s5 =	rddreg [dreg:$0x0]  }
0x2: {  	s6 =	rddreg [dreg:$0x1]  }
0x3: {  	s1 =	rddreg [dreg:$0x2]  }
0x4: {  	s0 =	rddreg [dreg:$0x3]  }
0x5: {  	s3 =	simm.s32 $0x0;
	s4 =	srdreg.scid;
	s2 =	stileid.u32  }
0x6: {  	s11 =	simm.s32 $0x900;
	s12 =	simm.s32 $0x1100;
	s13 =	simm.s32 $0x1900  }
0x7: {  	s14 =	simm.s32 $0x2100;
	s15 =	simm.s32 $0x2900;
	s16 =	simm.s32 $0x3100  }
0x8: {  	s17 =	simm.s32 $0x3900;
	s18 =	simm.s32 $0x4100;
	s19 =	simm.s32 $0x4900  }
0x9: {  	s20 =	simm.s32 $0x5100;
	s21 =	simm.s32 $0x5900;
	s22 =	simm.s32 $0x6100  }
0xa: {  	s23 =	simm.s32 $0x6900;
	s24 =	simm.s32 $0x7100;
	s25 =	simm.s32 $0x7900  }
0xb: {  	s26 =	simm.s32 $0x1;
	[smem:$0x7FF] =	sst s3;
	s4 =	sand.u32 $0x1, s4  }
0xc: {  	s7 =	sshll.u32 s2, $0x5;
	s8 =	sshll.u32 s4, $0x4;
	s9 =	ssub.s32 $0x2, s4  }
0xd: {  	_ =	strace $0x8000004A;
	s7 =	sor.u32 s8, s7;
	s31 =	sshrl.u32 s9, $0x1  }
0xe: {  	v2 =	vlaneseq.u32;
	s4 =	sadd.s32 $0xE00, s5;
	s10 =	sadd.s32 s7, s5;
	s8 =	ssub.s32 s9, s31  }
0xf: {  	vm0 =	vmmov $0xffff;
	v1 =	vshrl.u32 v2, $0x3;
	s5 =	sadd.s32 s6, s7;
	s9 =	simm.s32 $0x80;
	s6 =	sadd.s32 $0x21000, s10  }
0x10: {  	v0 =	vand.u32 $0x7, v2;
	v2 =	vor.u32 $0x8, v2;
	v1 =	vmul.u32 $0x8, v1;
	s7 =	smax.u32 s8, $0x1;
	s8 =	simm.s32 $0x2;
	s10 =	simm.s32 $0x100  }
.LBB2_1:
0x11: {  	[tilespmem:s3], [sflag:$0x2] =	stream.linear.gather [hbm4b:s5+s3], $0x80, $0x38;
	[tilespmem:$0x8100] =	vst v63  }
0x12: {  	_ =	swait.ge [sflag:s8], $0x80  }
0x13: {  	[sflag:s8] =	ssyncset.done $0x0  }
0x14: {  	[sflag:s8] =	ssyncadd.s32 $0xFFFFFF80  }
0x15: {  	[tilespmem:s9], [sflag:$0x2] =	stream.linear.gather [hbm4b:s6+s3], $0x80, $0x38;
	[tilespmem:$0x8100] =	vst v63  }
0x16: {  	_ =	swait.ge [sflag:s8], $0x80  }
0x17: {  	[sflag:s8] =	ssyncset.done $0x0  }
0x18: {  	[sflag:s8] =	ssyncadd.s32 $0xFFFFFF80  }
0x19: {  	v3 =	vld [tilespmem:$0x80];
	_ =	sdelay $0x4  }
0x1a: {  	v4 =	vshll.u32 v3, $0x1  }
0x1b: {  	v3 =	vand.u32 $0x7, v3;
	v4 =	vand.u32 $0xFFFFFFF0, v4  }
0x1c: {  	v3 =	vor.u32 v3, v4  }
0x1d: {  	v4 =	vperm.xlane v3, v0;
	_ =	sdelay $0x1  }
0x1e: {  	v3 =	vperm.xlane v3, v2;
	v4 =	vadd.s32 v1, v4;
	_ =	sdelay $0x1  }
0x1f: {  	v3 =	vadd.s32 v1, v3;
	_ =	sdelay $0x2  }
0x20: {  	[tilespmem:s10], [sflag:$0x1] =	stream.indirect_vreg.gather [hbm4b:s4+s3], $0x80, v4, vm0, $0xb8;
	[tilespmem:$0x8100] =	vst v63  }
0x21: {  	_ = 	snop  }
0x22: {  	[tilespmem:s11], [sflag:$0x1] =	stream.indirect_vreg.gather [hbm4b:s4+s3], $0x80, v3, vm0, $0xb8;
	[tilespmem:$0x8100] =	vst v63  }
0x23: {  	v3 =	vld [tilespmem:$0x90];
	_ =	sdelay $0x4  }
0x24: {  	v49 =	vshll.u32 v3, $0x1  }
0x25: {  	v3 =	vand.u32 $0x7, v3;
	v4 =	vand.u32 $0xFFFFFFF0, v49  }
0x26: {  	v3 =	vor.u32 v3, v4  }
0x27: {  	v4 =	vperm.xlane v3, v0;
	_ =	sdelay $0x1  }
0x28: {  	v3 =	vperm.xlane v3, v2;
	v4 =	vadd.s32 v1, v4;
	_ =	sdelay $0x1  }
0x29: {  	v3 =	vadd.s32 v1, v3;
	_ =	sdelay $0x2  }
0x2a: {  	[tilespmem:s12], [sflag:$0x1] =	stream.indirect_vreg.gather [hbm4b:s4+s3], $0x80, v4, vm0, $0xb8;
	[tilespmem:$0x8100] =	vst v63  }
0x2b: {  	_ = 	snop  }
0x2c: {  	[tilespmem:s13], [sflag:$0x1] =	stream.indirect_vreg.gather [hbm4b:s4+s3], $0x80, v3, vm0, $0xb8;
	[tilespmem:$0x8100] =	vst v63  }
0x2d: {  	v3 =	vld [tilespmem:$0xA0];
	_ =	sdelay $0x4  }
0x2e: {  	v50 =	vshll.u32 v3, $0x1  }
0x2f: {  	v3 =	vand.u32 $0x7, v3;
	v4 =	vand.u32 $0xFFFFFFF0, v50  }
0x30: {  	v3 =	vor.u32 v3, v4  }
0x31: {  	v4 =	vperm.xlane v3, v0;
	_ =	sdelay $0x1  }
0x32: {  	v3 =	vperm.xlane v3, v2;
	v4 =	vadd.s32 v1, v4;
	_ =	sdelay $0x1  }
0x33: {  	v3 =	vadd.s32 v1, v3;
	_ =	sdelay $0x2  }
0x34: {  	[tilespmem:s14], [sflag:$0x1] =	stream.indirect_vreg.gather [hbm4b:s4+s3], $0x80, v4, vm0, $0xb8;
	[tilespmem:$0x8100] =	vst v63  }
0x35: {  	_ = 	snop  }
0x36: {  	[tilespmem:s15], [sflag:$0x1] =	stream.indirect_vreg.gather [hbm4b:s4+s3], $0x80, v3, vm0, $0xb8;
	[tilespmem:$0x8100] =	vst v63  }
0x37: {  	v3 =	vld [tilespmem:$0xB0];
	_ =	sdelay $0x4  }
0x38: {  	v51 =	vshll.u32 v3, $0x1  }
0x39: {  	v3 =	vand.u32 $0x7, v3;
	v4 =	vand.u32 $0xFFFFFFF0, v51  }
0x3a: {  	v3 =	vor.u32 v3, v4  }
0x3b: {  	v4 =	vperm.xlane v3, v0;
	_ =	sdelay $0x1  }
0x3c: {  	v3 =	vperm.xlane v3, v2;
	v4 =	vadd.s32 v1, v4;
	_ =	sdelay $0x1  }
0x3d: {  	v3 =	vadd.s32 v1, v3;
	_ =	sdelay $0x2  }
0x3e: {  	[tilespmem:s16], [sflag:$0x1] =	stream.indirect_vreg.gather [hbm4b:s4+s3], $0x80, v4, vm0, $0xb8;
	[tilespmem:$0x8100] =	vst v63  }
0x3f: {  	_ = 	snop  }
0x40: {  	[tilespmem:s17], [sflag:$0x1] =	stream.indirect_vreg.gather [hbm4b:s4+s3], $0x80, v3, vm0, $0xb8;
	[tilespmem:$0x8100] =	vst v63  }
0x41: {  	v3 =	vld [tilespmem:$0xC0];
	_ =	sdelay $0x4  }
0x42: {  	v52 =	vshll.u32 v3, $0x1  }
0x43: {  	v3 =	vand.u32 $0x7, v3;
	v4 =	vand.u32 $0xFFFFFFF0, v52  }
0x44: {  	v3 =	vor.u32 v3, v4  }
0x45: {  	v4 =	vperm.xlane v3, v0;
	_ =	sdelay $0x1  }
0x46: {  	v3 =	vperm.xlane v3, v2;
	v4 =	vadd.s32 v1, v4;
	_ =	sdelay $0x1  }
0x47: {  	v3 =	vadd.s32 v1, v3;
	_ =	sdelay $0x2  }
0x48: {  	[tilespmem:s18], [sflag:$0x1] =	stream.indirect_vreg.gather [hbm4b:s4+s3], $0x80, v4, vm0, $0xb8;
	[tilespmem:$0x8100] =	vst v63  }
0x49: {  	_ = 	snop  }
0x4a: {  	[tilespmem:s19], [sflag:$0x1] =	stream.indirect_vreg.gather [hbm4b:s4+s3], $0x80, v3, vm0, $0xb8;
	[tilespmem:$0x8100] =	vst v63  }
0x4b: {  	v3 =	vld [tilespmem:$0xD0];
	_ =	sdelay $0x4  }
0x4c: {  	v53 =	vshll.u32 v3, $0x1  }
0x4d: {  	v3 =	vand.u32 $0x7, v3;
	v4 =	vand.u32 $0xFFFFFFF0, v53  }
0x4e: {  	v3 =	vor.u32 v3, v4  }
0x4f: {  	v4 =	vperm.xlane v3, v0;
	_ =	sdelay $0x1  }
0x50: {  	v3 =	vperm.xlane v3, v2;
	v4 =	vadd.s32 v1, v4;
	_ =	sdelay $0x1  }
0x51: {  	v3 =	vadd.s32 v1, v3;
	_ =	sdelay $0x2  }
0x52: {  	[tilespmem:s20], [sflag:$0x1] =	stream.indirect_vreg.gather [hbm4b:s4+s3], $0x80, v4, vm0, $0xb8;
	[tilespmem:$0x8100] =	vst v63  }
0x53: {  	_ = 	snop  }
0x54: {  	[tilespmem:s21], [sflag:$0x1] =	stream.indirect_vreg.gather [hbm4b:s4+s3], $0x80, v3, vm0, $0xb8;
	[tilespmem:$0x8100] =	vst v63  }
0x55: {  	v3 =	vld [tilespmem:$0xE0];
	_ =	sdelay $0x4  }
0x56: {  	v54 =	vshll.u32 v3, $0x1  }
0x57: {  	v3 =	vand.u32 $0x7, v3;
	v4 =	vand.u32 $0xFFFFFFF0, v54  }
0x58: {  	v3 =	vor.u32 v3, v4  }
0x59: {  	v4 =	vperm.xlane v3, v0;
	_ =	sdelay $0x1  }
0x5a: {  	v3 =	vperm.xlane v3, v2;
	v4 =	vadd.s32 v1, v4;
	_ =	sdelay $0x1  }
0x5b: {  	v3 =	vadd.s32 v1, v3;
	_ =	sdelay $0x2  }
0x5c: {  	[tilespmem:s22], [sflag:$0x1] =	stream.indirect_vreg.gather [hbm4b:s4+s3], $0x80, v4, vm0, $0xb8;
	[tilespmem:$0x8100] =	vst v63  }
0x5d: {  	_ = 	snop  }
0x5e: {  	[tilespmem:s23], [sflag:$0x1] =	stream.indirect_vreg.gather [hbm4b:s4+s3], $0x80, v3, vm0, $0xb8;
	[tilespmem:$0x8100] =	vst v63  }
0x5f: {  	v3 =	vld [tilespmem:$0xF0];
	_ =	sdelay $0x4  }
0x60: {  	v55 =	vshll.u32 v3, $0x1  }
0x61: {  	v3 =	vand.u32 $0x7, v3;
	v4 =	vand.u32 $0xFFFFFFF0, v55  }
0x62: {  	v3 =	vor.u32 v3, v4  }
0x63: {  	v4 =	vperm.xlane v3, v0;
	_ =	sdelay $0x1  }
0x64: {  	v3 =	vperm.xlane v3, v2;
	v4 =	vadd.s32 v1, v4;
	_ =	sdelay $0x1  }
0x65: {  	v3 =	vadd.s32 v1, v3;
	_ =	sdelay $0x2  }
0x66: {  	[tilespmem:s24], [sflag:$0x1] =	stream.indirect_vreg.gather [hbm4b:s4+s3], $0x80, v4, vm0, $0xb8;
	[tilespmem:$0x8100] =	vst v63  }
0x67: {  	_ = 	snop  }
0x68: {  	[tilespmem:s25], [sflag:$0x1] =	stream.indirect_vreg.gather [hbm4b:s4+s3], $0x80, v3, vm0, $0xb8;
	[tilespmem:$0x8100] =	vst v63  }
0x69: {  	_ =	swait.ge [sflag:s26], $0x8000  }
0x6a: {  	[sflag:s26] =	ssyncset.done $0x0  }
0x6b: {  	[sflag:s26] =	ssyncadd.s32 $0xFFFF8000  }
0x6c: {  	v3 =	vld [tilespmem:$0x0];
	_ =	sdelay $0x4  }
0x6d: {  	v56 =	vshll.u32 v3, $0x1  }
0x6e: {  	v3 =	vand.u32 $0x7, v3;
	v4 =	vand.u32 $0xFFFFFFF0, v56  }
0x6f: {  	v3 =	vor.u32 v3, v4  }
0x70: {  	v4 =	vperm.xlane v3, v0;
	_ =	sdelay $0x1  }
0x71: {  	v3 =	vperm.xlane v3, v2;
	v4 =	vadd.s32 v1, v4;
	_ =	sdelay $0x1  }
0x72: {  	v3 =	vadd.s32 v1, v3;
	_ =	sdelay $0x2  }
0x73: {  	[hbm4b:s1+s3] =	stream.indirect_vreg.scatter [tilespmem:s10], [sflag:$0x1], $0x80, v4, vm0, $0xb8;
	[tilespmem:$0x8100] =	vst v63  }
0x74: {  	_ = 	snop  }
0x75: {  	[hbm4b:s1+s3] =	stream.indirect_vreg.scatter [tilespmem:s11], [sflag:$0x1], $0x80, v3, vm0, $0xb8;
	[tilespmem:$0x8100] =	vst v63  }
0x76: {  	v3 =	vld [tilespmem:$0x10];
	_ =	sdelay $0x4  }
0x77: {  	v57 =	vshll.u32 v3, $0x1  }
0x78: {  	v3 =	vand.u32 $0x7, v3;
	v4 =	vand.u32 $0xFFFFFFF0, v57  }
0x79: {  	v3 =	vor.u32 v3, v4  }
0x7a: {  	v4 =	vperm.xlane v3, v0;
	_ =	sdelay $0x1  }
0x7b: {  	v3 =	vperm.xlane v3, v2;
	v4 =	vadd.s32 v1, v4;
	_ =	sdelay $0x1  }
0x7c: {  	v3 =	vadd.s32 v1, v3;
	_ =	sdelay $0x2  }
0x7d: {  	[hbm4b:s1+s3] =	stream.indirect_vreg.scatter [tilespmem:s12], [sflag:$0x1], $0x80, v4, vm0, $0xb8;
	[tilespmem:$0x8100] =	vst v63  }
0x7e: {  	_ = 	snop  }
0x7f: {  	[hbm4b:s1+s3] =	stream.indirect_vreg.scatter [tilespmem:s13], [sflag:$0x1], $0x80, v3, vm0, $0xb8;
	[tilespmem:$0x8100] =	vst v63  }
0x80: {  	v3 =	vld [tilespmem:$0x20];
	_ =	sdelay $0x4  }
0x81: {  	v58 =	vshll.u32 v3, $0x1  }
0x82: {  	v3 =	vand.u32 $0x7, v3;
	v4 =	vand.u32 $0xFFFFFFF0, v58  }
0x83: {  	v3 =	vor.u32 v3, v4  }
0x84: {  	v4 =	vperm.xlane v3, v0;
	_ =	sdelay $0x1  }
0x85: {  	v3 =	vperm.xlane v3, v2;
	v4 =	vadd.s32 v1, v4;
	_ =	sdelay $0x1  }
0x86: {  	v3 =	vadd.s32 v1, v3;
	_ =	sdelay $0x2  }
0x87: {  	[hbm4b:s1+s3] =	stream.indirect_vreg.scatter [tilespmem:s14], [sflag:$0x1], $0x80, v4, vm0, $0xb8;
	[tilespmem:$0x8100] =	vst v63  }
0x88: {  	_ = 	snop  }
0x89: {  	[hbm4b:s1+s3] =	stream.indirect_vreg.scatter [tilespmem:s15], [sflag:$0x1], $0x80, v3, vm0, $0xb8;
	[tilespmem:$0x8100] =	vst v63  }
0x8a: {  	v3 =	vld [tilespmem:$0x30];
	_ =	sdelay $0x4  }
0x8b: {  	v59 =	vshll.u32 v3, $0x1  }
0x8c: {  	v3 =	vand.u32 $0x7, v3;
	v4 =	vand.u32 $0xFFFFFFF0, v59  }
0x8d: {  	v3 =	vor.u32 v3, v4  }
0x8e: {  	v4 =	vperm.xlane v3, v0;
	_ =	sdelay $0x1  }
0x8f: {  	v3 =	vperm.xlane v3, v2;
	v4 =	vadd.s32 v1, v4;
	_ =	sdelay $0x1  }
0x90: {  	v3 =	vadd.s32 v1, v3;
	_ =	sdelay $0x2  }
0x91: {  	[hbm4b:s1+s3] =	stream.indirect_vreg.scatter [tilespmem:s16], [sflag:$0x1], $0x80, v4, vm0, $0xb8;
	[tilespmem:$0x8100] =	vst v63  }
0x92: {  	_ = 	snop  }
0x93: {  	[hbm4b:s1+s3] =	stream.indirect_vreg.scatter [tilespmem:s17], [sflag:$0x1], $0x80, v3, vm0, $0xb8;
	[tilespmem:$0x8100] =	vst v63  }
0x94: {  	v3 =	vld [tilespmem:$0x40];
	_ =	sdelay $0x4  }
0x95: {  	v60 =	vshll.u32 v3, $0x1  }
0x96: {  	v3 =	vand.u32 $0x7, v3;
	v4 =	vand.u32 $0xFFFFFFF0, v60  }
0x97: {  	v3 =	vor.u32 v3, v4  }
0x98: {  	v4 =	vperm.xlane v3, v0;
	_ =	sdelay $0x1  }
0x99: {  	v3 =	vperm.xlane v3, v2;
	v4 =	vadd.s32 v1, v4;
	_ =	sdelay $0x1  }
0x9a: {  	v3 =	vadd.s32 v1, v3;
	_ =	sdelay $0x2  }
0x9b: {  	[hbm4b:s1+s3] =	stream.indirect_vreg.scatter [tilespmem:s18], [sflag:$0x1], $0x80, v4, vm0, $0xb8;
	[tilespmem:$0x8100] =	vst v63  }
0x9c: {  	_ = 	snop  }
0x9d: {  	[hbm4b:s1+s3] =	stream.indirect_vreg.scatter [tilespmem:s19], [sflag:$0x1], $0x80, v3, vm0, $0xb8;
	[tilespmem:$0x8100] =	vst v63  }
0x9e: {  	v3 =	vld [tilespmem:$0x50];
	_ =	sdelay $0x4  }
0x9f: {  	v61 =	vshll.u32 v3, $0x1  }
0xa0: {  	v3 =	vand.u32 $0x7, v3;
	v4 =	vand.u32 $0xFFFFFFF0, v61  }
0xa1: {  	v3 =	vor.u32 v3, v4  }
0xa2: {  	v4 =	vperm.xlane v3, v0;
	_ =	sdelay $0x1  }
0xa3: {  	v3 =	vperm.xlane v3, v2;
	v4 =	vadd.s32 v1, v4;
	_ =	sdelay $0x1  }
0xa4: {  	v3 =	vadd.s32 v1, v3;
	_ =	sdelay $0x2  }
0xa5: {  	[hbm4b:s1+s3] =	stream.indirect_vreg.scatter [tilespmem:s20], [sflag:$0x1], $0x80, v4, vm0, $0xb8;
	[tilespmem:$0x8100] =	vst v63  }
0xa6: {  	_ = 	snop  }
0xa7: {  	[hbm4b:s1+s3] =	stream.indirect_vreg.scatter [tilespmem:s21], [sflag:$0x1], $0x80, v3, vm0, $0xb8;
	[tilespmem:$0x8100] =	vst v63  }
0xa8: {  	v3 =	vld [tilespmem:$0x60];
	_ =	sdelay $0x4  }
0xa9: {  	v62 =	vshll.u32 v3, $0x1  }
0xaa: {  	v3 =	vand.u32 $0x7, v3;
	v4 =	vand.u32 $0xFFFFFFF0, v62  }
0xab: {  	v3 =	vor.u32 v3, v4  }
0xac: {  	v4 =	vperm.xlane v3, v0;
	_ =	sdelay $0x1  }
0xad: {  	v3 =	vperm.xlane v3, v2;
	v4 =	vadd.s32 v1, v4;
	_ =	sdelay $0x1  }
0xae: {  	v3 =	vadd.s32 v1, v3;
	_ =	sdelay $0x2  }
0xaf: {  	[hbm4b:s1+s3] =	stream.indirect_vreg.scatter [tilespmem:s22], [sflag:$0x1], $0x80, v4, vm0, $0xb8;
	[tilespmem:$0x8100] =	vst v63  }
0xb0: {  	_ = 	snop  }
0xb1: {  	[hbm4b:s1+s3] =	stream.indirect_vreg.scatter [tilespmem:s23], [sflag:$0x1], $0x80, v3, vm0, $0xb8;
	[tilespmem:$0x8100] =	vst v63  }
0xb2: {  	v3 =	vld [tilespmem:$0x70];
	_ =	sdelay $0x4  }
0xb3: {  	v63 =	vshll.u32 v3, $0x1  }
0xb4: {  	v3 =	vand.u32 $0x7, v3;
	v4 =	vand.u32 $0xFFFFFFF0, v63  }
0xb5: {  	v3 =	vor.u32 v3, v4  }
0xb6: {  	v4 =	vperm.xlane v3, v0;
	_ =	sdelay $0x1  }
0xb7: {  	v3 =	vperm.xlane v3, v2;
	v4 =	vadd.s32 v1, v4;
	_ =	sdelay $0x1  }
0xb8: {  	v3 =	vadd.s32 v1, v3;
	_ =	sdelay $0x1  }
0xb9: {  	p0 =	sne.s32 s7, $0x1  }
0xba: {  	[hbm4b:s1+s3] =	stream.indirect_vreg.scatter [tilespmem:s24], [sflag:$0x1], $0x80, v4, vm0, $0xb8;
	[tilespmem:$0x8100] =	vst v63  }
.Ltmp0:
0xbb: {  	_ = 	snop;
	(pc) =	sbr.rel @p0 .LBB2_1-.Ltmp0, $4  }
0xbc: {  	[hbm4b:s1+s3] =	stream.indirect_vreg.scatter [tilespmem:s25], [sflag:$0x1], $0x80, v3, vm0, $0xb8;
	[tilespmem:$0x8100] =	vst v63  }
0xbd: {  	_ =	swait.ge [sflag:s26], $0x8000  }
0xbe: {  	[sflag:s26] =	ssyncset.done $0x0  }
0xbf: {  	s7 =	sadd.s32 $0xFFFFFFFF, s7;
	[sflag:s26] =	ssyncadd.s32 $0xFFFF8000  }
0xc0: {  	_ =	sfence.sel $0x180000  }
0xc1: {  	[bflag:$0x0] =	sbarrier.arrive $0xFFFF  }
0xc2: {  	p0 =	sne.s32 s2, $0x0;
	_ =	strace $0x9000004A  }
0xc3: {  	s0 =	sadd.s32 @!p0 $0x100000, s0;
	[bflag:$0x2] =	sbarrier.arrive $0xFFFF  }
0xc4: {  	[sflag:s0] =	ssyncadd.tile.s32 @!p0 $0x1;
	_ =	shalt  }
.Lfunc_end2:
_tile_overlayer_lowered:
.L_overlay_start_2:
0xc5: {  	(tag) =	ssettag $0x2  }
0xc6: {  	s0 =	rddreg [dreg:$0x0];
	s2 =	stileid.u32  }
0xc7: {  	s1 =	rddreg [dreg:$0x1];
	p0 =	sne.s32 s2, $0x0  }
0xc8: {  	s3 =	rddreg [dreg:$0x2];
	[bflag:$0x3] =	sbarrier.arrive $0xFFFF;
	s2 =	simm.s32 @!p0 $0x1C02  }
0xc9: {  	[timem:s3], [sflag:s2] =	dma.local @!p0 [hbm:s0], s1  }
0xca: {  	s0 =	simm.s32 @!p0 $0x2  }
0xcb: {  	_ =	swait.ge @!p0 [sflag:s0], s1  }
0xcc: {  	s1 =	ssub.s32 @!p0 $0x0, s1;
	[sflag:s0] =	ssyncset.done @!p0 $0x0  }
0xcd: {  	[sflag:s0] =	ssyncadd.s32 @!p0 s1  }
0xce: {  	[bflag:$0x3] =	sbarrier.arrive $0xFFFF  }
0xcf: {  	_ =	shalt  }

</sc_bundles>
